<compile_context>
chip_gen: v7x
topology: tpu7x:2x2x1
jax: 0.10.2.dev20260603
libtpu: 0.0.44.dev20260713+nightly
codegen_flags: <defaults>
</compile_context>

<pallas_src>
import functools

import jax
import jax.numpy as jnp
from jax import lax
from jax.experimental import pallas as pl
from jax.experimental.pallas import tpu as pltpu
from jax.experimental.pallas import tpu_sc as plsc

_COMMIT = 0.25
_N = 16384
_K = 8192
_D = 256
_BLK = 512
_GRID = _N // _BLK


def _mm(a, b):
    return jax.lax.dot(a, b, precision=None)


_ERFC_P = (2.326819970068386E-2, -1.387039388740657E-1, 3.687424674597105E-1,
           -5.824733027278666E-1, 6.210004621745983E-1, -4.944515323274145E-1,
           3.404879937665872E-1, -2.741127028184656E-1, 5.638259427386472E-1)
_ERFC_R = (-1.047766399936249E+1, 1.297719955372516E+1, -7.495518717768503E+0,
           2.921019019210786E+0, -1.015265279202700E+0, 4.218463358204948E-1,
           -2.820767439740514E-1, 5.641895067754075E-1)
_ERF_T = (7.853861353153693E-5, -8.010193625184903E-4, 5.188327685732524E-3,
          -2.685381193529856E-2, 1.128358514861418E-1, -3.761262582423300E-1,
          1.128379165726710E+0)


def _horner(y, cs):
    p = jnp.full_like(y, jnp.float32(cs[0]))
    for c in cs[1:]:
        p = p * y + jnp.float32(c)
    return p


def _erfc(t):
    abs_t = jnp.abs(t)
    z = jnp.exp(-t * t)
    q = 1.0 / abs_t
    y = q * q
    p = jnp.where(abs_t < 2.0, _horner(y, _ERFC_P), _horner(y, _ERFC_R))
    yv = z * q * p
    impl = jnp.where(t < 0.0, 2.0 - yv, yv)
    erf_small = t * _horner(t * t, _ERF_T)
    return jnp.where(abs_t > 1.0, impl, 1.0 - erf_small)


def _gelu(x):
    return 0.5 * x * _erfc(-x * 0.7071067811865476)


def _gelu_erf(x):
    return 0.5 * x * (1.0 + lax.erf(x * 0.7071067811865476))


def _layernorm(x, g, b):
    m = jnp.mean(x, axis=-1, keepdims=True)
    v = jnp.var(x, axis=-1, keepdims=True)
    return (x - m) / jnp.sqrt(v + 1e-5) * g + b


def _enc_body(x_ref, w0_ref, b0_ref, g0_ref, be0_ref, w1_ref, b1_ref, g1_ref,
              be1_ref, w2_ref, b2_ref, cbt_ref, cn_ref, ze_ref, idx_ref):
    h = _mm(x_ref[...], w0_ref[...]) + b0_ref[...]
    h = _gelu(_layernorm(h, g0_ref[...], be0_ref[...]))
    h = _mm(h, w1_ref[...]) + b1_ref[...]
    h = _gelu(_layernorm(h, g1_ref[...], be1_ref[...]))
    z = _mm(h, w2_ref[...]) + b2_ref[...]
    ze_ref[...] = z

    scores = _mm(z, cbt_ref[...])
    znorm = jnp.sum(z * z, axis=1, keepdims=True)
    dist = znorm - 2.0 * scores + cn_ref[...]
    mins = jnp.min(dist, axis=1, keepdims=True)
    cols = lax.broadcasted_iota(jnp.int32, dist.shape, 1)
    idx = jnp.min(jnp.where(dist == mins, cols, jnp.int32(_K)), axis=1)
    idx_ref[...] = idx[:, None]


def _dec_body(zq_ref, ze_ref, x_ref, w0_ref, b0_ref, g0_ref, be0_ref, w1_ref,
              b1_ref, g1_ref, be1_ref, w2_ref, b2_ref, xr_ref, zqst_ref,
              rec_ref, vq_ref):
    zq = zq_ref[...]
    ze = ze_ref[...]
    zqst = ze + (zq - ze)
    zqst_ref[...] = zqst
    h = _mm(zqst, w0_ref[...]) + b0_ref[...]
    h = _gelu_erf(_layernorm(h, g0_ref[...], be0_ref[...]))
    h = _mm(h, w1_ref[...]) + b1_ref[...]
    h = _gelu_erf(_layernorm(h, g1_ref[...], be1_ref[...]))
    xr = _mm(h, w2_ref[...]) + b2_ref[...]
    xr_ref[...] = xr

    ones = jnp.ones((1, 1, 128), jnp.float32)
    rec_ref[...] = jnp.sum((xr - x_ref[...]) ** 2) * ones
    vq_ref[...] = jnp.sum((zq - ze) ** 2) * ones


def _cnorm_body(cbt_ref, out_ref):
    cbt = cbt_ref[...]
    out_ref[...] = jnp.sum(cbt * cbt, axis=0, keepdims=True)


def _cnorm(cbt):
    return pl.pallas_call(
        _cnorm_body,
        out_shape=jax.ShapeDtypeStruct((1, _K), jnp.float32),
    )(cbt)


def _full(shape):
    zeros = (0,) * len(shape)
    return pl.BlockSpec(shape, lambda i: zeros)


def _encode_quantize(x, w0, b0, g0, be0, w1, b1, g1, be1, w2, b2, cbt, cn):
    return pl.pallas_call(
        _enc_body,
        grid=(_GRID,),
        in_specs=[
            pl.BlockSpec((_BLK, 768), lambda i: (i, 0)),
            _full((768, 512)), _full((512,)), _full((512,)), _full((512,)),
            _full((512, 384)), _full((384,)), _full((384,)), _full((384,)),
            _full((384, 256)), _full((256,)),
            _full((_D, _K)), _full((1, _K)),
        ],
        out_specs=[
            pl.BlockSpec((_BLK, _D), lambda i: (i, 0)),
            pl.BlockSpec((_BLK, 1), lambda i: (i, 0)),
        ],
        out_shape=[
            jax.ShapeDtypeStruct((_N, _D), jnp.float32),
            jax.ShapeDtypeStruct((_N, 1), jnp.int32),
        ],
        compiler_params=pltpu.CompilerParams(
            dimension_semantics=("parallel",)),
    )(x, w0, b0, g0, be0, w1, b1, g1, be1, w2, b2, cbt, cn)


def _sc_gather(codebook, idx):
    info = plsc.get_sparse_core_info()
    nw = info.num_cores * info.num_subcores
    b_per_w = _N // nw
    chunk = 128
    nchunk = b_per_w // chunk
    mesh = plsc.VectorSubcoreMesh(core_axis_name="c", subcore_axis_name="s")

    @functools.partial(
        pl.kernel, mesh=mesh,
        out_type=jax.ShapeDtypeStruct((_N, _D), jnp.float32),
        scratch_types=[
            pltpu.VMEM((chunk,), jnp.int32),
            pltpu.VMEM((chunk,), jnp.int32),
            pltpu.VMEM((chunk, _D), jnp.float32),
            pltpu.VMEM((chunk, _D), jnp.float32),
            pltpu.SemaphoreType.DMA,
            pltpu.SemaphoreType.DMA,
        ],
    )
    def gather(table_hbm, idx_hbm, out_hbm, idx0, idx1, rows0, rows1,
               sem0, sem1):
        wid = lax.axis_index("s") * info.num_cores + lax.axis_index("c")
        base = wid * b_per_w
        idx_v = (idx0, idx1)
        rows_v = (rows0, rows1)
        sems = (sem0, sem1)
        copies = [None, None]
        for j in range(nchunk):
            b = j % 2
            if copies[b] is not None:
                copies[b].wait()
                pltpu.sync_copy(rows_v[b],
                                out_hbm.at[pl.ds(base + (j - 2) * chunk, chunk)])
            pltpu.sync_copy(idx_hbm.at[pl.ds(base + j * chunk, chunk)],
                            idx_v[b])
            copies[b] = pltpu.async_copy(table_hbm.at[idx_v[b]], rows_v[b],
                                         sems[b])
        for j in range(nchunk - 2, nchunk):
            b = j % 2
            copies[b].wait()
            pltpu.sync_copy(rows_v[b],
                            out_hbm.at[pl.ds(base + j * chunk, chunk)])

    return gather(codebook, idx)


def _decode(zq, ze, x, w0, b0, g0, be0, w1, b1, g1, be1, w2, b2):
    return pl.pallas_call(
        _dec_body,
        grid=(_GRID,),
        in_specs=[
            pl.BlockSpec((_BLK, _D), lambda i: (i, 0)),
            pl.BlockSpec((_BLK, _D), lambda i: (i, 0)),
            pl.BlockSpec((_BLK, 768), lambda i: (i, 0)),
            _full((256, 384)), _full((384,)), _full((384,)), _full((384,)),
            _full((384, 512)), _full((512,)), _full((512,)), _full((512,)),
            _full((512, 768)), _full((768,)),
        ],
        out_specs=[
            pl.BlockSpec((_BLK, 768), lambda i: (i, 0)),
            pl.BlockSpec((_BLK, _D), lambda i: (i, 0)),
            pl.BlockSpec((1, 1, 128), lambda i: (i, 0, 0)),
            pl.BlockSpec((1, 1, 128), lambda i: (i, 0, 0)),
        ],
        out_shape=[
            jax.ShapeDtypeStruct((_N, 768), jnp.float32),
            jax.ShapeDtypeStruct((_N, _D), jnp.float32),
            jax.ShapeDtypeStruct((_GRID, 1, 128), jnp.float32),
            jax.ShapeDtypeStruct((_GRID, 1, 128), jnp.float32),
        ],
        compiler_params=pltpu.CompilerParams(
            dimension_semantics=("parallel",)),
    )(zq, ze, x, w0, b0, g0, be0, w1, b1, g1, be1, w2, b2)


def kernel(x, enc_W0, enc_b0, enc_g0, enc_be0, enc_W1, enc_b1, enc_g1, enc_be1,
           enc_W2, enc_b2, codebook, dec_W0, dec_b0, dec_g0, dec_be0, dec_W1,
           dec_b1, dec_g1, dec_be1, dec_W2, dec_b2):
    cbt = codebook.T
    ze, idx2 = _encode_quantize(x, enc_W0, enc_b0, enc_g0, enc_be0, enc_W1,
                                enc_b1, enc_g1, enc_be1, enc_W2, enc_b2,
                                cbt, _cnorm(cbt))
    idx = idx2.reshape(_N)
    zq = _sc_gather(codebook, idx)
    xr, zqst, rec_sum, vq_sum = _decode(zq, ze, x, dec_W0, dec_b0, dec_g0,
                                        dec_be0, dec_W1, dec_b1, dec_g1,
                                        dec_be1, dec_W2, dec_b2)
    recon_loss = (jnp.sum(rec_sum[:, 0, 0]) / (_N * 768)).reshape(())
    vq_loss = (_COMMIT * (jnp.sum(vq_sum[:, 0, 0]) / (_N * _D))).reshape(())
    total_loss = recon_loss + vq_loss
    return (xr, total_loss, recon_loss, vq_loss, idx, ze, zqst)

# --- scband reference (transcript-rebuilt; emitter-appended) ---
"""Pipeline reference for scband-semantic-vqvae-64493228916939 (READ-ONLY COPY).

The authoritative reference and input builder live on the scoring server;
editing this copy changes nothing except your own understanding.
"""

import jax, jax.numpy as jnp
import numpy as np

COMMIT = 0.25

def _ln(x, g, b):
    m = jnp.mean(x, axis=-1, keepdims=True)
    v = jnp.var(x, axis=-1, keepdims=True)
    return (x - m) / jnp.sqrt(v + 1e-5) * g + b

def _mlp(x, Ws, bs, gs, betas):
    h = x
    for i in range(len(Ws) - 1):
        h = h @ Ws[i] + bs[i]
        h = _ln(h, gs[i], betas[i])
        h = jax.nn.gelu(h, approximate=False)
    return h @ Ws[-1] + bs[-1]

def setup_inputs(seed: int = 0):
    key = jax.random.key(seed)
    ks = jax.random.split(key, 24)
    def W(k, i, o):
        return jax.random.normal(k, (i, o), dtype=jnp.float32) / np.sqrt(i)
    d = {}
    d['x'] = jax.random.normal(ks[0], (16384, 768), dtype=jnp.float32)
    d['enc_W0'] = W(ks[1], 768, 512); d['enc_b0'] = jnp.zeros((512,), jnp.float32)
    d['enc_g0'] = jnp.ones((512,), jnp.float32); d['enc_be0'] = jnp.zeros((512,), jnp.float32)
    d['enc_W1'] = W(ks[2], 512, 384); d['enc_b1'] = jnp.zeros((384,), jnp.float32)
    d['enc_g1'] = jnp.ones((384,), jnp.float32); d['enc_be1'] = jnp.zeros((384,), jnp.float32)
    d['enc_W2'] = W(ks[3], 384, 256); d['enc_b2'] = jnp.zeros((256,), jnp.float32)
    d['codebook'] = jax.random.normal(ks[4], (8192, 256), dtype=jnp.float32)
    d['dec_W0'] = W(ks[5], 256, 384); d['dec_b0'] = jnp.zeros((384,), jnp.float32)
    d['dec_g0'] = jnp.ones((384,), jnp.float32); d['dec_be0'] = jnp.zeros((384,), jnp.float32)
    d['dec_W1'] = W(ks[6], 384, 512); d['dec_b1'] = jnp.zeros((512,), jnp.float32)
    d['dec_g1'] = jnp.ones((512,), jnp.float32); d['dec_be1'] = jnp.zeros((512,), jnp.float32)
    d['dec_W2'] = W(ks[7], 512, 768); d['dec_b2'] = jnp.zeros((768,), jnp.float32)
    return d

def reference(x, enc_W0, enc_b0, enc_g0, enc_be0, enc_W1, enc_b1, enc_g1, enc_be1, enc_W2, enc_b2, codebook, dec_W0, dec_b0, dec_g0, dec_be0, dec_W1, dec_b1, dec_g1, dec_be1, dec_W2, dec_b2):
    z_e = _mlp(x, [enc_W0, enc_W1, enc_W2], [enc_b0, enc_b1, enc_b2], [enc_g0, enc_g1], [enc_be0, enc_be1])
    dist = jnp.sum(z_e ** 2, axis=1, keepdims=True) - 2.0 * (z_e @ codebook.T) + jnp.sum(codebook ** 2, axis=1)[None, :]
    indices = jnp.argmin(dist, axis=1)
    z_q = jnp.take(codebook, indices, axis=0)
    vq_loss = COMMIT * jnp.mean((jax.lax.stop_gradient(z_q) - z_e) ** 2)
    z_q_st = z_e + jax.lax.stop_gradient(z_q - z_e)
    x_recon = _mlp(z_q_st, [dec_W0, dec_W1, dec_W2], [dec_b0, dec_b1, dec_b2], [dec_g0, dec_g1], [dec_be0, dec_be1])
    recon_loss = jnp.mean((x_recon - x) ** 2)
    total_loss = recon_loss + vq_loss
    return (x_recon, total_loss, recon_loss, vq_loss, indices, z_e, z_q_st)

if __name__ == "__main__":
    import jax
    _d = setup_inputs()
    print(jax.jit(kernel)(*tuple(_d.values())))

</pallas_src>

<mosaic_0001>
#map = affine_map<(d0, d1) -> (0, 0)>
#map1 = affine_map<(d0, d1) -> (0)>
module attributes {stable_mosaic.version = 14 : i64} {
  func.func @gather(%arg0: i32, %arg1: i32, %arg2: memref<8192x256xf32, #tpu.memory_space<hbm>>, %arg3: memref<16384xi32, #tpu.memory_space<hbm>>, %arg4: memref<16384x256xf32, #tpu.memory_space<hbm>>, %arg5: memref<128xi32, #tpu.memory_space<vmem>>, %arg6: memref<128xi32, #tpu.memory_space<vmem>>, %arg7: memref<128x256xf32, #tpu.memory_space<vmem>>, %arg8: memref<128x256xf32, #tpu.memory_space<vmem>>, %arg9: memref<!tpu.dma_semaphore, #tpu.memory_space<semaphore_mem>>, %arg10: memref<!tpu.dma_semaphore, #tpu.memory_space<semaphore_mem>>) attributes {dimension_semantics = [#tpu.dimension_semantics<core_parallel>, #tpu.dimension_semantics<subcore_parallel>], iteration_bounds = array<i64: 2, 16>, scalar_prefetch = 0 : i64, scratch_operands = 6 : i64, tpu.core_type = #tpu.core_type<sc_vector_subcore>, window_params = [{transform_indices = #map}, {transform_indices = #map1}, {transform_indices = #map}]} {
    %mul3A = arith.constant 2 : i32
    %mul3A_0 = arith.muli %arg1, %mul3A : i32
    %add3A = arith.addi %mul3A_0, %arg0 : i32
    %mul3A_1 = arith.constant 512 : i32
    %mul3A_2 = arith.muli %add3A, %mul3A_1 : i32
    %add3A_3 = arith.constant 0 : i32
    %add3A_4 = arith.addi %mul3A_2, %add3A_3 : i32
    "tpu.region"() ({
      %run_scoped3A = tpu.sem_alloc : memref<!tpu.dma_semaphore, #tpu.memory_space<semaphore_mem>>
      %dma_start3A_41 = tpu.memref_slice %arg3[%add3A_4] : memref<16384xi32, #tpu.memory_space<hbm>> -> memref<128xi32, #tpu.memory_space<hbm>>
      %dma_start3A_42 = tpu.memref_slice %arg3[%add3A_4] : memref<16384xi32, #tpu.memory_space<hbm>> -> memref<128xi32, #tpu.memory_space<hbm>>
      tpu.enqueue_dma source(%dma_start3A_42 : memref<128xi32, #tpu.memory_space<hbm>>) target(%arg5 : memref<128xi32, #tpu.memory_space<vmem>>) target_semaphore(%run_scoped3A : memref<!tpu.dma_semaphore, #tpu.memory_space<semaphore_mem>>)
      %dma_wait3A_43 = tpu.memref_slice %arg3[%add3A_4] : memref<16384xi32, #tpu.memory_space<hbm>> -> memref<128xi32, #tpu.memory_space<hbm>>
      %dma_wait3A_44 = tpu.memref_slice %arg3[%add3A_4] : memref<16384xi32, #tpu.memory_space<hbm>> -> memref<128xi32, #tpu.memory_space<hbm>>
      tpu.wait_dma2 semaphore(%run_scoped3A : memref<!tpu.dma_semaphore, #tpu.memory_space<semaphore_mem>>) src(%dma_wait3A_44 : memref<128xi32, #tpu.memory_space<hbm>>) dst(%arg5 : memref<128xi32, #tpu.memory_space<vmem>>)
      tpu.yield
    }) : () -> ()
    %dma_start3A = arith.constant 0 : i32
    %dma_start3A_5 = arith.constant 0 : i32
    %dma_start3A_6 = tpu.memref_slice %arg2[%dma_start3A, %dma_start3A_5] : memref<8192x256xf32, #tpu.memory_space<hbm>> -> memref<8192x256xf32, #tpu.memory_space<hbm>>
    tpu.enqueue_indirect_dma source(%dma_start3A_6 : memref<8192x256xf32, #tpu.memory_space<hbm>>) target(%arg7 : memref<128x256xf32, #tpu.memory_space<vmem>>) offsets(%arg5 : memref<128xi32, #tpu.memory_space<vmem>>) semaphore(%arg9 : memref<!tpu.dma_semaphore, #tpu.memory_space<semaphore_mem>>)
    %add3A_7 = arith.constant 128 : i32
    %add3A_8 = arith.addi %mul3A_2, %add3A_7 : i32
    "tpu.region"() ({
      %run_scoped3A = tpu.sem_alloc : memref<!tpu.dma_semaphore, #tpu.memory_space<semaphore_mem>>
      %dma_start3A_41 = tpu.memref_slice %arg3[%add3A_8] : memref<16384xi32, #tpu.memory_space<hbm>> -> memref<128xi32, #tpu.memory_space<hbm>>
      %dma_start3A_42 = tpu.memref_slice %arg3[%add3A_8] : memref<16384xi32, #tpu.memory_space<hbm>> -> memref<128xi32, #tpu.memory_space<hbm>>
      tpu.enqueue_dma source(%dma_start3A_42 : memref<128xi32, #tpu.memory_space<hbm>>) target(%arg6 : memref<128xi32, #tpu.memory_space<vmem>>) target_semaphore(%run_scoped3A : memref<!tpu.dma_semaphore, #tpu.memory_space<semaphore_mem>>)
      %dma_wait3A_43 = tpu.memref_slice %arg3[%add3A_8] : memref<16384xi32, #tpu.memory_space<hbm>> -> memref<128xi32, #tpu.memory_space<hbm>>
      %dma_wait3A_44 = tpu.memref_slice %arg3[%add3A_8] : memref<16384xi32, #tpu.memory_space<hbm>> -> memref<128xi32, #tpu.memory_space<hbm>>
      tpu.wait_dma2 semaphore(%run_scoped3A : memref<!tpu.dma_semaphore, #tpu.memory_space<semaphore_mem>>) src(%dma_wait3A_44 : memref<128xi32, #tpu.memory_space<hbm>>) dst(%arg6 : memref<128xi32, #tpu.memory_space<vmem>>)
      tpu.yield
    }) : () -> ()
    %dma_start3A_9 = arith.constant 0 : i32
    %dma_start3A_10 = arith.constant 0 : i32
    %dma_start3A_11 = tpu.memref_slice %arg2[%dma_start3A_9, %dma_start3A_10] : memref<8192x256xf32, #tpu.memory_space<hbm>> -> memref<8192x256xf32, #tpu.memory_space<hbm>>
    tpu.enqueue_indirect_dma source(%dma_start3A_11 : memref<8192x256xf32, #tpu.memory_space<hbm>>) target(%arg8 : memref<128x256xf32, #tpu.memory_space<vmem>>) offsets(%arg6 : memref<128xi32, #tpu.memory_space<vmem>>) semaphore(%arg10 : memref<!tpu.dma_semaphore, #tpu.memory_space<semaphore_mem>>)
    %dma_wait3A = arith.constant 0 : i32
    %dma_wait3A_12 = arith.constant 0 : i32
    %dma_wait3A_13 = tpu.memref_slice %arg2[%dma_wait3A, %dma_wait3A_12] : memref<8192x256xf32, #tpu.memory_space<hbm>> -> memref<8192x256xf32, #tpu.memory_space<hbm>>
    tpu.wait_indirect_dma semaphore(%arg9 : memref<!tpu.dma_semaphore, #tpu.memory_space<semaphore_mem>>) src(%dma_wait3A_13 : memref<8192x256xf32, #tpu.memory_space<hbm>>) dst(%arg7 : memref<128x256xf32, #tpu.memory_space<vmem>>)
    %add3A_14 = arith.constant 0 : i32
    %add3A_15 = arith.addi %mul3A_2, %add3A_14 : i32
    "tpu.region"() ({
      %run_scoped3A = tpu.sem_alloc : memref<!tpu.dma_semaphore, #tpu.memory_space<semaphore_mem>>
      %dma_start3A_41 = arith.constant 0 : i32
      %dma_start3A_42 = tpu.memref_slice %arg4[%add3A_15, %dma_start3A_41] : memref<16384x256xf32, #tpu.memory_space<hbm>> -> memref<128x256xf32, #tpu.memory_space<hbm>>
      %dma_start3A_43 = arith.constant 0 : i32
      %dma_start3A_44 = tpu.memref_slice %arg4[%add3A_15, %dma_start3A_43] : memref<16384x256xf32, #tpu.memory_space<hbm>> -> memref<128x256xf32, #tpu.memory_space<hbm>>
      tpu.enqueue_dma source(%arg7 : memref<128x256xf32, #tpu.memory_space<vmem>>) target(%dma_start3A_44 : memref<128x256xf32, #tpu.memory_space<hbm>>) target_semaphore(%run_scoped3A : memref<!tpu.dma_semaphore, #tpu.memory_space<semaphore_mem>>)
      %dma_wait3A_45 = arith.constant 0 : i32
      %dma_wait3A_46 = tpu.memref_slice %arg4[%add3A_15, %dma_wait3A_45] : memref<16384x256xf32, #tpu.memory_space<hbm>> -> memref<128x256xf32, #tpu.memory_space<hbm>>
      %dma_wait3A_47 = arith.constant 0 : i32
      %dma_wait3A_48 = tpu.memref_slice %arg4[%add3A_15, %dma_wait3A_47] : memref<16384x256xf32, #tpu.memory_space<hbm>> -> memref<128x256xf32, #tpu.memory_space<hbm>>
      tpu.wait_dma2 semaphore(%run_scoped3A : memref<!tpu.dma_semaphore, #tpu.memory_space<semaphore_mem>>) src(%arg7 : memref<128x256xf32, #tpu.memory_space<vmem>>) dst(%dma_wait3A_48 : memref<128x256xf32, #tpu.memory_space<hbm>>)
      tpu.yield
    }) : () -> ()
    %add3A_16 = arith.constant 256 : i32
    %add3A_17 = arith.addi %mul3A_2, %add3A_16 : i32
    "tpu.region"() ({
      %run_scoped3A = tpu.sem_alloc : memref<!tpu.dma_semaphore, #tpu.memory_space<semaphore_mem>>
      %dma_start3A_41 = tpu.memref_slice %arg3[%add3A_17] : memref<16384xi32, #tpu.memory_space<hbm>> -> memref<128xi32, #tpu.memory_space<hbm>>
      %dma_start3A_42 = tpu.memref_slice %arg3[%add3A_17] : memref<16384xi32, #tpu.memory_space<hbm>> -> memref<128xi32, #tpu.memory_space<hbm>>
      tpu.enqueue_dma source(%dma_start3A_42 : memref<128xi32, #tpu.memory_space<hbm>>) target(%arg5 : memref<128xi32, #tpu.memory_space<vmem>>) target_semaphore(%run_scoped3A : memref<!tpu.dma_semaphore, #tpu.memory_space<semaphore_mem>>)
      %dma_wait3A_43 = tpu.memref_slice %arg3[%add3A_17] : memref<16384xi32, #tpu.memory_space<hbm>> -> memref<128xi32, #tpu.memory_space<hbm>>
      %dma_wait3A_44 = tpu.memref_slice %arg3[%add3A_17] : memref<16384xi32, #tpu.memory_space<hbm>> -> memref<128xi32, #tpu.memory_space<hbm>>
      tpu.wait_dma2 semaphore(%run_scoped3A : memref<!tpu.dma_semaphore, #tpu.memory_space<semaphore_mem>>) src(%dma_wait3A_44 : memref<128xi32, #tpu.memory_space<hbm>>) dst(%arg5 : memref<128xi32, #tpu.memory_space<vmem>>)
      tpu.yield
    }) : () -> ()
    %dma_start3A_18 = arith.constant 0 : i32
    %dma_start3A_19 = arith.constant 0 : i32
    %dma_start3A_20 = tpu.memref_slice %arg2[%dma_start3A_18, %dma_start3A_19] : memref<8192x256xf32, #tpu.memory_space<hbm>> -> memref<8192x256xf32, #tpu.memory_space<hbm>>
    tpu.enqueue_indirect_dma source(%dma_start3A_20 : memref<8192x256xf32, #tpu.memory_space<hbm>>) target(%arg7 : memref<128x256xf32, #tpu.memory_space<vmem>>) offsets(%arg5 : memref<128xi32, #tpu.memory_space<vmem>>) semaphore(%arg9 : memref<!tpu.dma_semaphore, #tpu.memory_space<semaphore_mem>>)
    %dma_wait3A_21 = arith.constant 0 : i32
    %dma_wait3A_22 = arith.constant 0 : i32
    %dma_wait3A_23 = tpu.memref_slice %arg2[%dma_wait3A_21, %dma_wait3A_22] : memref<8192x256xf32, #tpu.memory_space<hbm>> -> memref<8192x256xf32, #tpu.memory_space<hbm>>
    tpu.wait_indirect_dma semaphore(%arg10 : memref<!tpu.dma_semaphore, #tpu.memory_space<semaphore_mem>>) src(%dma_wait3A_23 : memref<8192x256xf32, #tpu.memory_space<hbm>>) dst(%arg8 : memref<128x256xf32, #tpu.memory_space<vmem>>)
    %add3A_24 = arith.constant 128 : i32
    %add3A_25 = arith.addi %mul3A_2, %add3A_24 : i32
    "tpu.region"() ({
      %run_scoped3A = tpu.sem_alloc : memref<!tpu.dma_semaphore, #tpu.memory_space<semaphore_mem>>
      %dma_start3A_41 = arith.constant 0 : i32
      %dma_start3A_42 = tpu.memref_slice %arg4[%add3A_25, %dma_start3A_41] : memref<16384x256xf32, #tpu.memory_space<hbm>> -> memref<128x256xf32, #tpu.memory_space<hbm>>
      %dma_start3A_43 = arith.constant 0 : i32
      %dma_start3A_44 = tpu.memref_slice %arg4[%add3A_25, %dma_start3A_43] : memref<16384x256xf32, #tpu.memory_space<hbm>> -> memref<128x256xf32, #tpu.memory_space<hbm>>
      tpu.enqueue_dma source(%arg8 : memref<128x256xf32, #tpu.memory_space<vmem>>) target(%dma_start3A_44 : memref<128x256xf32, #tpu.memory_space<hbm>>) target_semaphore(%run_scoped3A : memref<!tpu.dma_semaphore, #tpu.memory_space<semaphore_mem>>)
      %dma_wait3A_45 = arith.constant 0 : i32
      %dma_wait3A_46 = tpu.memref_slice %arg4[%add3A_25, %dma_wait3A_45] : memref<16384x256xf32, #tpu.memory_space<hbm>> -> memref<128x256xf32, #tpu.memory_space<hbm>>
      %dma_wait3A_47 = arith.constant 0 : i32
      %dma_wait3A_48 = tpu.memref_slice %arg4[%add3A_25, %dma_wait3A_47] : memref<16384x256xf32, #tpu.memory_space<hbm>> -> memref<128x256xf32, #tpu.memory_space<hbm>>
      tpu.wait_dma2 semaphore(%run_scoped3A : memref<!tpu.dma_semaphore, #tpu.memory_space<semaphore_mem>>) src(%arg8 : memref<128x256xf32, #tpu.memory_space<vmem>>) dst(%dma_wait3A_48 : memref<128x256xf32, #tpu.memory_space<hbm>>)
      tpu.yield
    }) : () -> ()
    %add3A_26 = arith.constant 384 : i32
    %add3A_27 = arith.addi %mul3A_2, %add3A_26 : i32
    "tpu.region"() ({
      %run_scoped3A = tpu.sem_alloc : memref<!tpu.dma_semaphore, #tpu.memory_space<semaphore_mem>>
      %dma_start3A_41 = tpu.memref_slice %arg3[%add3A_27] : memref<16384xi32, #tpu.memory_space<hbm>> -> memref<128xi32, #tpu.memory_space<hbm>>
      %dma_start3A_42 = tpu.memref_slice %arg3[%add3A_27] : memref<16384xi32, #tpu.memory_space<hbm>> -> memref<128xi32, #tpu.memory_space<hbm>>
      tpu.enqueue_dma source(%dma_start3A_42 : memref<128xi32, #tpu.memory_space<hbm>>) target(%arg6 : memref<128xi32, #tpu.memory_space<vmem>>) target_semaphore(%run_scoped3A : memref<!tpu.dma_semaphore, #tpu.memory_space<semaphore_mem>>)
      %dma_wait3A_43 = tpu.memref_slice %arg3[%add3A_27] : memref<16384xi32, #tpu.memory_space<hbm>> -> memref<128xi32, #tpu.memory_space<hbm>>
      %dma_wait3A_44 = tpu.memref_slice %arg3[%add3A_27] : memref<16384xi32, #tpu.memory_space<hbm>> -> memref<128xi32, #tpu.memory_space<hbm>>
      tpu.wait_dma2 semaphore(%run_scoped3A : memref<!tpu.dma_semaphore, #tpu.memory_space<semaphore_mem>>) src(%dma_wait3A_44 : memref<128xi32, #tpu.memory_space<hbm>>) dst(%arg6 : memref<128xi32, #tpu.memory_space<vmem>>)
      tpu.yield
    }) : () -> ()
    %dma_start3A_28 = arith.constant 0 : i32
    %dma_start3A_29 = arith.constant 0 : i32
    %dma_start3A_30 = tpu.memref_slice %arg2[%dma_start3A_28, %dma_start3A_29] : memref<8192x256xf32, #tpu.memory_space<hbm>> -> memref<8192x256xf32, #tpu.memory_space<hbm>>
    tpu.enqueue_indirect_dma source(%dma_start3A_30 : memref<8192x256xf32, #tpu.memory_space<hbm>>) target(%arg8 : memref<128x256xf32, #tpu.memory_space<vmem>>) offsets(%arg6 : memref<128xi32, #tpu.memory_space<vmem>>) semaphore(%arg10 : memref<!tpu.dma_semaphore, #tpu.memory_space<semaphore_mem>>)
    %dma_wait3A_31 = arith.constant 0 : i32
    %dma_wait3A_32 = arith.constant 0 : i32
    %dma_wait3A_33 = tpu.memref_slice %arg2[%dma_wait3A_31, %dma_wait3A_32] : memref<8192x256xf32, #tpu.memory_space<hbm>> -> memref<8192x256xf32, #tpu.memory_space<hbm>>
    tpu.wait_indirect_dma semaphore(%arg9 : memref<!tpu.dma_semaphore, #tpu.memory_space<semaphore_mem>>) src(%dma_wait3A_33 : memref<8192x256xf32, #tpu.memory_space<hbm>>) dst(%arg7 : memref<128x256xf32, #tpu.memory_space<vmem>>)
    %add3A_34 = arith.constant 256 : i32
    %add3A_35 = arith.addi %mul3A_2, %add3A_34 : i32
    "tpu.region"() ({
      %run_scoped3A = tpu.sem_alloc : memref<!tpu.dma_semaphore, #tpu.memory_space<semaphore_mem>>
      %dma_start3A_41 = arith.constant 0 : i32
      %dma_start3A_42 = tpu.memref_slice %arg4[%add3A_35, %dma_start3A_41] : memref<16384x256xf32, #tpu.memory_space<hbm>> -> memref<128x256xf32, #tpu.memory_space<hbm>>
      %dma_start3A_43 = arith.constant 0 : i32
      %dma_start3A_44 = tpu.memref_slice %arg4[%add3A_35, %dma_start3A_43] : memref<16384x256xf32, #tpu.memory_space<hbm>> -> memref<128x256xf32, #tpu.memory_space<hbm>>
      tpu.enqueue_dma source(%arg7 : memref<128x256xf32, #tpu.memory_space<vmem>>) target(%dma_start3A_44 : memref<128x256xf32, #tpu.memory_space<hbm>>) target_semaphore(%run_scoped3A : memref<!tpu.dma_semaphore, #tpu.memory_space<semaphore_mem>>)
      %dma_wait3A_45 = arith.constant 0 : i32
      %dma_wait3A_46 = tpu.memref_slice %arg4[%add3A_35, %dma_wait3A_45] : memref<16384x256xf32, #tpu.memory_space<hbm>> -> memref<128x256xf32, #tpu.memory_space<hbm>>
      %dma_wait3A_47 = arith.constant 0 : i32
      %dma_wait3A_48 = tpu.memref_slice %arg4[%add3A_35, %dma_wait3A_47] : memref<16384x256xf32, #tpu.memory_space<hbm>> -> memref<128x256xf32, #tpu.memory_space<hbm>>
      tpu.wait_dma2 semaphore(%run_scoped3A : memref<!tpu.dma_semaphore, #tpu.memory_space<semaphore_mem>>) src(%arg7 : memref<128x256xf32, #tpu.memory_space<vmem>>) dst(%dma_wait3A_48 : memref<128x256xf32, #tpu.memory_space<hbm>>)
      tpu.yield
    }) : () -> ()
    %dma_wait3A_36 = arith.constant 0 : i32
    %dma_wait3A_37 = arith.constant 0 : i32
    %dma_wait3A_38 = tpu.memref_slice %arg2[%dma_wait3A_36, %dma_wait3A_37] : memref<8192x256xf32, #tpu.memory_space<hbm>> -> memref<8192x256xf32, #tpu.memory_space<hbm>>
    tpu.wait_indirect_dma semaphore(%arg10 : memref<!tpu.dma_semaphore, #tpu.memory_space<semaphore_mem>>) src(%dma_wait3A_38 : memref<8192x256xf32, #tpu.memory_space<hbm>>) dst(%arg8 : memref<128x256xf32, #tpu.memory_space<vmem>>)
    %add3A_39 = arith.constant 384 : i32
    %add3A_40 = arith.addi %mul3A_2, %add3A_39 : i32
    "tpu.region"() ({
      %run_scoped3A = tpu.sem_alloc : memref<!tpu.dma_semaphore, #tpu.memory_space<semaphore_mem>>
      %dma_start3A_41 = arith.constant 0 : i32
      %dma_start3A_42 = tpu.memref_slice %arg4[%add3A_40, %dma_start3A_41] : memref<16384x256xf32, #tpu.memory_space<hbm>> -> memref<128x256xf32, #tpu.memory_space<hbm>>
      %dma_start3A_43 = arith.constant 0 : i32
      %dma_start3A_44 = tpu.memref_slice %arg4[%add3A_40, %dma_start3A_43] : memref<16384x256xf32, #tpu.memory_space<hbm>> -> memref<128x256xf32, #tpu.memory_space<hbm>>
      tpu.enqueue_dma source(%arg8 : memref<128x256xf32, #tpu.memory_space<vmem>>) target(%dma_start3A_44 : memref<128x256xf32, #tpu.memory_space<hbm>>) target_semaphore(%run_scoped3A : memref<!tpu.dma_semaphore, #tpu.memory_space<semaphore_mem>>)
      %dma_wait3A_45 = arith.constant 0 : i32
      %dma_wait3A_46 = tpu.memref_slice %arg4[%add3A_40, %dma_wait3A_45] : memref<16384x256xf32, #tpu.memory_space<hbm>> -> memref<128x256xf32, #tpu.memory_space<hbm>>
      %dma_wait3A_47 = arith.constant 0 : i32
      %dma_wait3A_48 = tpu.memref_slice %arg4[%add3A_40, %dma_wait3A_47] : memref<16384x256xf32, #tpu.memory_space<hbm>> -> memref<128x256xf32, #tpu.memory_space<hbm>>
      tpu.wait_dma2 semaphore(%run_scoped3A : memref<!tpu.dma_semaphore, #tpu.memory_space<semaphore_mem>>) src(%arg8 : memref<128x256xf32, #tpu.memory_space<vmem>>) dst(%dma_wait3A_48 : memref<128x256xf32, #tpu.memory_space<hbm>>)
      tpu.yield
    }) : () -> ()
    return
  }
}

module attributes {stable_mosaic.version = 14 : i64} {
  func.func @_cnorm_body(%arg0: memref<256x8192xf32, #tpu.memory_space<vmem>>, %arg1: memref<1x8192xf32, #tpu.memory_space<vmem>>) attributes {dimension_semantics = [], scalar_prefetch = 0 : i64, scratch_operands = 0 : i64, tpu.core_type = #tpu.core_type<tc>} {
    %get3A = arith.constant 0 : index
    %get3A_0 = arith.constant 0 : index
    %get3A_1 = vector.load %arg0[%get3A, %get3A_0] : memref<256x8192xf32, #tpu.memory_space<vmem>>, vector<256x8192xf32>
    %mul3A = arith.mulf %get3A_1, %get3A_1 : vector<256x8192xf32>
    %reduce_sum3A = arith.constant dense<0.000000e+00> : vector<8192xf32>
    %reduce_sum3A_2 = vector.multi_reduction <add>, %mul3A, %reduce_sum3A [0] : vector<256x8192xf32> to vector<8192xf32>
    %broadcast_in_dim3A = vector.shape_cast %reduce_sum3A_2 : vector<8192xf32> to vector<1x8192xf32>
    %swap3A = arith.constant 0 : index
    %swap3A_3 = arith.constant 0 : index
    %swap3A_4 = vector.load %arg1[%swap3A, %swap3A_3] : memref<1x8192xf32, #tpu.memory_space<vmem>>, vector<1x8192xf32>
    tpu.vector_store %arg1[%swap3A, %swap3A_3], %broadcast_in_dim3A {strides = array<i32>} : memref<1x8192xf32, #tpu.memory_space<vmem>>, vector<1x8192xf32>,
    return
  }
}

module attributes {stable_mosaic.version = 14 : i64} {
  func.func @_enc_body(%arg0: i32, %arg1: memref<512x768xf32, #tpu.memory_space<vmem>>, %arg2: memref<768x512xf32, #tpu.memory_space<vmem>>, %arg3: memref<512xf32, #tpu.memory_space<vmem>>, %arg4: memref<512xf32, #tpu.memory_space<vmem>>, %arg5: memref<512xf32, #tpu.memory_space<vmem>>, %arg6: memref<512x384xf32, #tpu.memory_space<vmem>>, %arg7: memref<384xf32, #tpu.memory_space<vmem>>, %arg8: memref<384xf32, #tpu.memory_space<vmem>>, %arg9: memref<384xf32, #tpu.memory_space<vmem>>, %arg10: memref<384x256xf32, #tpu.memory_space<vmem>>, %arg11: memref<256xf32, #tpu.memory_space<vmem>>, %arg12: memref<256x8192xf32, #tpu.memory_space<vmem>>, %arg13: memref<1x8192xf32, #tpu.memory_space<vmem>>, %arg14: memref<512x256xf32, #tpu.memory_space<vmem>>, %arg15: memref<512x1xi32, #tpu.memory_space<vmem>>) attributes {dimension_semantics = [#tpu.dimension_semantics<parallel>], iteration_bounds = array<i64: 32>, scalar_prefetch = 0 : i64, scratch_operands = 0 : i64, tpu.core_type = #tpu.core_type<tc>, window_params = [{transform_indices = @transform_0, window_bounds = array<i64: 512, 768>}, {pipeline_mode = #tpu.pipeline_mode<synchronous>, transform_indices = @transform_1, window_bounds = array<i64: 768, 512>}, {pipeline_mode = #tpu.pipeline_mode<synchronous>, transform_indices = @transform_2, window_bounds = array<i64: 512>}, {pipeline_mode = #tpu.pipeline_mode<synchronous>, transform_indices = @transform_3, window_bounds = array<i64: 512>}, {pipeline_mode = #tpu.pipeline_mode<synchronous>, transform_indices = @transform_4, window_bounds = array<i64: 512>}, {pipeline_mode = #tpu.pipeline_mode<synchronous>, transform_indices = @transform_5, window_bounds = array<i64: 512, 384>}, {pipeline_mode = #tpu.pipeline_mode<synchronous>, transform_indices = @transform_6, window_bounds = array<i64: 384>}, {pipeline_mode = #tpu.pipeline_mode<synchronous>, transform_indices = @transform_7, window_bounds = array<i64: 384>}, {pipeline_mode = #tpu.pipeline_mode<synchronous>, transform_indices = @transform_8, window_bounds = array<i64: 384>}, {pipeline_mode = #tpu.pipeline_mode<synchronous>, transform_indices = @transform_9, window_bounds = array<i64: 384, 256>}, {pipeline_mode = #tpu.pipeline_mode<synchronous>, transform_indices = @transform_10, window_bounds = array<i64: 256>}, {pipeline_mode = #tpu.pipeline_mode<synchronous>, transform_indices = @transform_11, window_bounds = array<i64: 256, 8192>}, {pipeline_mode = #tpu.pipeline_mode<synchronous>, transform_indices = @transform_12, window_bounds = array<i64: 1, 8192>}, {transform_indices = @transform_13, window_bounds = array<i64: 512, 256>}, {transform_indices = @transform_14, window_bounds = array<i64: 512, 1>}]} {
    %get3A = arith.constant 0 : index
    %get3A_0 = arith.constant 0 : index
    %get3A_1 = vector.load %arg1[%get3A, %get3A_0] : memref<512x768xf32, #tpu.memory_space<vmem>>, vector<512x768xf32>
    %get3A_2 = arith.constant 0 : index
    %get3A_3 = arith.constant 0 : index
    %get3A_4 = vector.load %arg2[%get3A_2, %get3A_3] : memref<768x512xf32, #tpu.memory_space<vmem>>, vector<768x512xf32>
    %dot_general3A = arith.constant dense<0.000000e+00> : vector<512x512xf32>
    %dot_general3A_5 = tpu.matmul %get3A_1, %get3A_4, %dot_general3A {dimension_numbers = #tpu.dot_dimension_numbers<[1], [0], [0], [1], [0, 0, 1, 1], [], []>, transpose_lhs_hint = false} : vector<512x768xf32>, vector<768x512xf32>, vector<512x512xf32> -> vector<512x512xf32>
    %get3A_6 = arith.constant 0 : index
    %get3A_7 = vector.load %arg3[%get3A_6] : memref<512xf32, #tpu.memory_space<vmem>>, vector<512xf32>
    %broadcast_in_dim3A = vector.shape_cast %get3A_7 : vector<512xf32> to vector<1x512xf32>
    %add3A = vector.broadcast %broadcast_in_dim3A : vector<1x512xf32> to vector<512x512xf32>
    %add3A_8 = arith.addf %dot_general3A_5, %add3A : vector<512x512xf32>
    %get3A_9 = arith.constant 0 : index
    %get3A_10 = vector.load %arg4[%get3A_9] : memref<512xf32, #tpu.memory_space<vmem>>, vector<512xf32>
    %get3A_11 = arith.constant 0 : index
    %get3A_12 = vector.load %arg5[%get3A_11] : memref<512xf32, #tpu.memory_space<vmem>>, vector<512xf32>
    %reduce_sum3A = arith.constant dense<0.000000e+00> : vector<512xf32>
    %reduce_sum3A_13 = vector.multi_reduction <add>, %add3A_8, %reduce_sum3A [1] : vector<512x512xf32> to vector<512xf32>
    %broadcast_in_dim3A_14 = vector.shape_cast %reduce_sum3A_13 : vector<512xf32> to vector<512x1xf32>
    %div3A = arith.constant 5.120000e+02 : f32
    %div3A_15 = vector.broadcast %div3A : f32 to vector<512x1xf32>
    %div3A_16 = arith.divf %broadcast_in_dim3A_14, %div3A_15 : vector<512x1xf32>
    %jit3A = arith.constant 0 : i32
    %reduce_sum3A_17 = arith.constant dense<0.000000e+00> : vector<512xf32>
    %reduce_sum3A_18 = vector.multi_reduction <add>, %add3A_8, %reduce_sum3A_17 [1] : vector<512x512xf32> to vector<512xf32>
    %broadcast_in_dim3A_19 = vector.shape_cast %reduce_sum3A_18 : vector<512xf32> to vector<512x1xf32>
    %div3A_20 = arith.constant 5.120000e+02 : f32
    %div3A_21 = vector.broadcast %div3A_20 : f32 to vector<512x1xf32>
    %div3A_22 = arith.divf %broadcast_in_dim3A_19, %div3A_21 : vector<512x1xf32>
    %sub3A = vector.broadcast %div3A_22 : vector<512x1xf32> to vector<512x512xf32>
    %sub3A_23 = arith.subf %add3A_8, %sub3A : vector<512x512xf32>
    %square3A = arith.mulf %sub3A_23, %sub3A_23 : vector<512x512xf32>
    %convert_element_type3A = arith.sitofp %jit3A : i32 to f32
    %sub3A_24 = arith.constant 5.120000e+02 : f32
    %sub3A_25 = arith.subf %sub3A_24, %convert_element_type3A : f32
    %reduce_sum3A_26 = arith.constant dense<0.000000e+00> : vector<512xf32>
    %reduce_sum3A_27 = vector.multi_reduction <add>, %square3A, %reduce_sum3A_26 [1] : vector<512x512xf32> to vector<512xf32>
    %broadcast_in_dim3A_28 = vector.shape_cast %reduce_sum3A_27 : vector<512xf32> to vector<512x1xf32>
    %div3A_29 = vector.broadcast %sub3A_25 : f32 to vector<512x1xf32>
    %div3A_30 = arith.divf %broadcast_in_dim3A_28, %div3A_29 : vector<512x1xf32>
    %gt3A = arith.constant 0.000000e+00 : f32
    %gt3A_31 = arith.cmpf ogt, %sub3A_25, %gt3A : f32
    %jit3A_32 = arith.constant 0x7FC00000 : f32
    %broadcast_in_dim3A_33 = vector.broadcast %jit3A_32 : f32 to vector<512x1xf32>
    %select_n3A = arith.select %gt3A_31, %div3A_30, %broadcast_in_dim3A_33 : vector<512x1xf32>
    %sub3A_34 = vector.broadcast %div3A_16 : vector<512x1xf32> to vector<512x512xf32>
    %sub3A_35 = arith.subf %add3A_8, %sub3A_34 : vector<512x512xf32>
    %add3A_36 = arith.constant 9.99999974E-6 : f32
    %add3A_37 = vector.broadcast %add3A_36 : f32 to vector<512x1xf32>
    %add3A_38 = arith.addf %select_n3A, %add3A_37 : vector<512x1xf32>
    %sqrt3A = math.sqrt %add3A_38 : vector<512x1xf32>
    %div3A_39 = vector.broadcast %sqrt3A : vector<512x1xf32> to vector<512x512xf32>
    %div3A_40 = arith.divf %sub3A_35, %div3A_39 : vector<512x512xf32>
    %broadcast_in_dim3A_41 = vector.shape_cast %get3A_10 : vector<512xf32> to vector<1x512xf32>
    %mul3A = vector.broadcast %broadcast_in_dim3A_41 : vector<1x512xf32> to vector<512x512xf32>
    %mul3A_42 = arith.mulf %div3A_40, %mul3A : vector<512x512xf32>
    %broadcast_in_dim3A_43 = vector.shape_cast %get3A_12 : vector<512xf32> to vector<1x512xf32>
    %add3A_44 = vector.broadcast %broadcast_in_dim3A_43 : vector<1x512xf32> to vector<512x512xf32>
    %add3A_45 = arith.addf %mul3A_42, %add3A_44 : vector<512x512xf32>
    %mul3A_46 = arith.constant 5.000000e-01 : f32
    %mul3A_47 = vector.broadcast %mul3A_46 : f32 to vector<512x512xf32>
    %mul3A_48 = arith.mulf %mul3A_47, %add3A_45 : vector<512x512xf32>
    %neg3A = arith.constant 0.000000e+00 : f32
    %neg3A_49 = vector.broadcast %neg3A : f32 to vector<512x512xf32>
    %neg3A_50 = arith.subf %neg3A_49, %add3A_45 : vector<512x512xf32>
    %mul3A_51 = arith.constant 0.707106769 : f32
    %mul3A_52 = vector.broadcast %mul3A_51 : f32 to vector<512x512xf32>
    %mul3A_53 = arith.mulf %neg3A_50, %mul3A_52 : vector<512x512xf32>
    %abs3A = math.absf %mul3A_53 : vector<512x512xf32>
    %neg3A_54 = arith.constant 0.000000e+00 : f32
    %neg3A_55 = vector.broadcast %neg3A_54 : f32 to vector<512x512xf32>
    %neg3A_56 = arith.subf %neg3A_55, %mul3A_53 : vector<512x512xf32>
    %mul3A_57 = arith.mulf %neg3A_56, %mul3A_53 : vector<512x512xf32>
    %exp3A = math.exp %mul3A_57 : vector<512x512xf32>
    %div3A_58 = arith.constant 1.000000e+00 : f32
    %div3A_59 = vector.broadcast %div3A_58 : f32 to vector<512x512xf32>
    %div3A_60 = arith.divf %div3A_59, %abs3A : vector<512x512xf32>
    %mul3A_61 = arith.mulf %div3A_60, %div3A_60 : vector<512x512xf32>
    %lt3A = arith.constant 2.000000e+00 : f32
    %lt3A_62 = vector.broadcast %lt3A : f32 to vector<512x512xf32>
    %lt3A_63 = arith.cmpf olt, %abs3A, %lt3A_62 : vector<512x512xf32>
    %broadcast_in_dim3A_64 = arith.constant 2.326820e-02 : f32
    %broadcast_in_dim3A_65 = vector.broadcast %broadcast_in_dim3A_64 : f32 to vector<512x512xf32>
    %mul3A_66 = arith.mulf %broadcast_in_dim3A_65, %mul3A_61 : vector<512x512xf32>
    %add3A_67 = arith.constant -0.138703942 : f32
    %add3A_68 = vector.broadcast %add3A_67 : f32 to vector<512x512xf32>
    %add3A_69 = arith.addf %mul3A_66, %add3A_68 : vector<512x512xf32>
    %mul3A_70 = arith.mulf %add3A_69, %mul3A_61 : vector<512x512xf32>
    %add3A_71 = arith.constant 0.368742466 : f32
    %add3A_72 = vector.broadcast %add3A_71 : f32 to vector<512x512xf32>
    %add3A_73 = arith.addf %mul3A_70, %add3A_72 : vector<512x512xf32>
    %mul3A_74 = arith.mulf %add3A_73, %mul3A_61 : vector<512x512xf32>
    %add3A_75 = arith.constant -0.582473278 : f32
    %add3A_76 = vector.broadcast %add3A_75 : f32 to vector<512x512xf32>
    %add3A_77 = arith.addf %mul3A_74, %add3A_76 : vector<512x512xf32>
    %mul3A_78 = arith.mulf %add3A_77, %mul3A_61 : vector<512x512xf32>
    %add3A_79 = arith.constant 0.621000468 : f32
    %add3A_80 = vector.broadcast %add3A_79 : f32 to vector<512x512xf32>
    %add3A_81 = arith.addf %mul3A_78, %add3A_80 : vector<512x512xf32>
    %mul3A_82 = arith.mulf %add3A_81, %mul3A_61 : vector<512x512xf32>
    %add3A_83 = arith.constant -0.494451523 : f32
    %add3A_84 = vector.broadcast %add3A_83 : f32 to vector<512x512xf32>
    %add3A_85 = arith.addf %mul3A_82, %add3A_84 : vector<512x512xf32>
    %mul3A_86 = arith.mulf %add3A_85, %mul3A_61 : vector<512x512xf32>
    %add3A_87 = arith.constant 3.404880e-01 : f32
    %add3A_88 = vector.broadcast %add3A_87 : f32 to vector<512x512xf32>
    %add3A_89 = arith.addf %mul3A_86, %add3A_88 : vector<512x512xf32>
    %mul3A_90 = arith.mulf %add3A_89, %mul3A_61 : vector<512x512xf32>
    %add3A_91 = arith.constant -0.274112701 : f32
    %add3A_92 = vector.broadcast %add3A_91 : f32 to vector<512x512xf32>
    %add3A_93 = arith.addf %mul3A_90, %add3A_92 : vector<512x512xf32>
    %mul3A_94 = arith.mulf %add3A_93, %mul3A_61 : vector<512x512xf32>
    %add3A_95 = arith.constant 0.563825965 : f32
    %add3A_96 = vector.broadcast %add3A_95 : f32 to vector<512x512xf32>
    %add3A_97 = arith.addf %mul3A_94, %add3A_96 : vector<512x512xf32>
    %broadcast_in_dim3A_98 = arith.constant -10.477664 : f32
    %broadcast_in_dim3A_99 = vector.broadcast %broadcast_in_dim3A_98 : f32 to vector<512x512xf32>
    %mul3A_100 = arith.mulf %broadcast_in_dim3A_99, %mul3A_61 : vector<512x512xf32>
    %add3A_101 = arith.constant 1.297720e+01 : f32
    %add3A_102 = vector.broadcast %add3A_101 : f32 to vector<512x512xf32>
    %add3A_103 = arith.addf %mul3A_100, %add3A_102 : vector<512x512xf32>
    %mul3A_104 = arith.mulf %add3A_103, %mul3A_61 : vector<512x512xf32>
    %add3A_105 = arith.constant -7.49551868 : f32
    %add3A_106 = vector.broadcast %add3A_105 : f32 to vector<512x512xf32>
    %add3A_107 = arith.addf %mul3A_104, %add3A_106 : vector<512x512xf32>
    %mul3A_108 = arith.mulf %add3A_107, %mul3A_61 : vector<512x512xf32>
    %add3A_109 = arith.constant 2.92101908 : f32
    %add3A_110 = vector.broadcast %add3A_109 : f32 to vector<512x512xf32>
    %add3A_111 = arith.addf %mul3A_108, %add3A_110 : vector<512x512xf32>
    %mul3A_112 = arith.mulf %add3A_111, %mul3A_61 : vector<512x512xf32>
    %add3A_113 = arith.constant -1.01526523 : f32
    %add3A_114 = vector.broadcast %add3A_113 : f32 to vector<512x512xf32>
    %add3A_115 = arith.addf %mul3A_112, %add3A_114 : vector<512x512xf32>
    %mul3A_116 = arith.mulf %add3A_115, %mul3A_61 : vector<512x512xf32>
    %add3A_117 = arith.constant 0.42184633 : f32
    %add3A_118 = vector.broadcast %add3A_117 : f32 to vector<512x512xf32>
    %add3A_119 = arith.addf %mul3A_116, %add3A_118 : vector<512x512xf32>
    %mul3A_120 = arith.mulf %add3A_119, %mul3A_61 : vector<512x512xf32>
    %add3A_121 = arith.constant -0.282076746 : f32
    %add3A_122 = vector.broadcast %add3A_121 : f32 to vector<512x512xf32>
    %add3A_123 = arith.addf %mul3A_120, %add3A_122 : vector<512x512xf32>
    %mul3A_124 = arith.mulf %add3A_123, %mul3A_61 : vector<512x512xf32>
    %add3A_125 = arith.constant 0.564189494 : f32
    %add3A_126 = vector.broadcast %add3A_125 : f32 to vector<512x512xf32>
    %add3A_127 = arith.addf %mul3A_124, %add3A_126 : vector<512x512xf32>
    %select_n3A_128 = arith.select %lt3A_63, %add3A_97, %add3A_127 : vector<512x512xi1>, vector<512x512xf32>
    %mul3A_129 = arith.mulf %exp3A, %div3A_60 : vector<512x512xf32>
    %mul3A_130 = arith.mulf %mul3A_129, %select_n3A_128 : vector<512x512xf32>
    %lt3A_131 = arith.constant 0.000000e+00 : f32
    %lt3A_132 = vector.broadcast %lt3A_131 : f32 to vector<512x512xf32>
    %lt3A_133 = arith.cmpf olt, %mul3A_53, %lt3A_132 : vector<512x512xf32>
    %sub3A_134 = arith.constant 2.000000e+00 : f32
    %sub3A_135 = vector.broadcast %sub3A_134 : f32 to vector<512x512xf32>
    %sub3A_136 = arith.subf %sub3A_135, %mul3A_130 : vector<512x512xf32>
    %select_n3A_137 = arith.select %lt3A_133, %sub3A_136, %mul3A_130 : vector<512x512xi1>, vector<512x512xf32>
    %mul3A_138 = arith.mulf %mul3A_53, %mul3A_53 : vector<512x512xf32>
    %broadcast_in_dim3A_139 = arith.constant 7.85386146E-5 : f32
    %broadcast_in_dim3A_140 = vector.broadcast %broadcast_in_dim3A_139 : f32 to vector<512x512xf32>
    %mul3A_141 = arith.mulf %broadcast_in_dim3A_140, %mul3A_138 : vector<512x512xf32>
    %add3A_142 = arith.constant -8.0101937E-4 : f32
    %add3A_143 = vector.broadcast %add3A_142 : f32 to vector<512x512xf32>
    %add3A_144 = arith.addf %mul3A_141, %add3A_143 : vector<512x512xf32>
    %mul3A_145 = arith.mulf %add3A_144, %mul3A_138 : vector<512x512xf32>
    %add3A_146 = arith.constant 0.00518832775 : f32
    %add3A_147 = vector.broadcast %add3A_146 : f32 to vector<512x512xf32>
    %add3A_148 = arith.addf %mul3A_145, %add3A_147 : vector<512x512xf32>
    %mul3A_149 = arith.mulf %add3A_148, %mul3A_138 : vector<512x512xf32>
    %add3A_150 = arith.constant -0.0268538129 : f32
    %add3A_151 = vector.broadcast %add3A_150 : f32 to vector<512x512xf32>
    %add3A_152 = arith.addf %mul3A_149, %add3A_151 : vector<512x512xf32>
    %mul3A_153 = arith.mulf %add3A_152, %mul3A_138 : vector<512x512xf32>
    %add3A_154 = arith.constant 0.112835854 : f32
    %add3A_155 = vector.broadcast %add3A_154 : f32 to vector<512x512xf32>
    %add3A_156 = arith.addf %mul3A_153, %add3A_155 : vector<512x512xf32>
    %mul3A_157 = arith.mulf %add3A_156, %mul3A_138 : vector<512x512xf32>
    %add3A_158 = arith.constant -0.37612626 : f32
    %add3A_159 = vector.broadcast %add3A_158 : f32 to vector<512x512xf32>
    %add3A_160 = arith.addf %mul3A_157, %add3A_159 : vector<512x512xf32>
    %mul3A_161 = arith.mulf %add3A_160, %mul3A_138 : vector<512x512xf32>
    %add3A_162 = arith.constant 1.12837911 : f32
    %add3A_163 = vector.broadcast %add3A_162 : f32 to vector<512x512xf32>
    %add3A_164 = arith.addf %mul3A_161, %add3A_163 : vector<512x512xf32>
    %mul3A_165 = arith.mulf %mul3A_53, %add3A_164 : vector<512x512xf32>
    %gt3A_166 = arith.constant 1.000000e+00 : f32
    %gt3A_167 = vector.broadcast %gt3A_166 : f32 to vector<512x512xf32>
    %gt3A_168 = arith.cmpf ogt, %abs3A, %gt3A_167 : vector<512x512xf32>
    %sub3A_169 = arith.constant 1.000000e+00 : f32
    %sub3A_170 = vector.broadcast %sub3A_169 : f32 to vector<512x512xf32>
    %sub3A_171 = arith.subf %sub3A_170, %mul3A_165 : vector<512x512xf32>
    %select_n3A_172 = arith.select %gt3A_168, %select_n3A_137, %sub3A_171 : vector<512x512xi1>, vector<512x512xf32>
    %mul3A_173 = arith.mulf %mul3A_48, %select_n3A_172 : vector<512x512xf32>
    %get3A_174 = arith.constant 0 : index
    %get3A_175 = arith.constant 0 : index
    %get3A_176 = vector.load %arg6[%get3A_174, %get3A_175] : memref<512x384xf32, #tpu.memory_space<vmem>>, vector<512x384xf32>
    %dot_general3A_177 = arith.constant dense<0.000000e+00> : vector<512x384xf32>
    %dot_general3A_178 = tpu.matmul %mul3A_173, %get3A_176, %dot_general3A_177 {dimension_numbers = #tpu.dot_dimension_numbers<[1], [0], [0], [1], [0, 0, 1, 1], [], []>, transpose_lhs_hint = false} : vector<512x512xf32>, vector<512x384xf32>, vector<512x384xf32> -> vector<512x384xf32>
    %get3A_179 = arith.constant 0 : index
    %get3A_180 = vector.load %arg7[%get3A_179] : memref<384xf32, #tpu.memory_space<vmem>>, vector<384xf32>
    %broadcast_in_dim3A_181 = vector.shape_cast %get3A_180 : vector<384xf32> to vector<1x384xf32>
    %add3A_182 = vector.broadcast %broadcast_in_dim3A_181 : vector<1x384xf32> to vector<512x384xf32>
    %add3A_183 = arith.addf %dot_general3A_178, %add3A_182 : vector<512x384xf32>
    %get3A_184 = arith.constant 0 : index
    %get3A_185 = vector.load %arg8[%get3A_184] : memref<384xf32, #tpu.memory_space<vmem>>, vector<384xf32>
    %get3A_186 = arith.constant 0 : index
    %get3A_187 = vector.load %arg9[%get3A_186] : memref<384xf32, #tpu.memory_space<vmem>>, vector<384xf32>
    %reduce_sum3A_188 = arith.constant dense<0.000000e+00> : vector<512xf32>
    %reduce_sum3A_189 = vector.multi_reduction <add>, %add3A_183, %reduce_sum3A_188 [1] : vector<512x384xf32> to vector<512xf32>
    %broadcast_in_dim3A_190 = vector.shape_cast %reduce_sum3A_189 : vector<512xf32> to vector<512x1xf32>
    %div3A_191 = arith.constant 3.840000e+02 : f32
    %div3A_192 = vector.broadcast %div3A_191 : f32 to vector<512x1xf32>
    %div3A_193 = arith.divf %broadcast_in_dim3A_190, %div3A_192 : vector<512x1xf32>
    %jit3A_194 = arith.constant 0 : i32
    %reduce_sum3A_195 = arith.constant dense<0.000000e+00> : vector<512xf32>
    %reduce_sum3A_196 = vector.multi_reduction <add>, %add3A_183, %reduce_sum3A_195 [1] : vector<512x384xf32> to vector<512xf32>
    %broadcast_in_dim3A_197 = vector.shape_cast %reduce_sum3A_196 : vector<512xf32> to vector<512x1xf32>
    %div3A_198 = arith.constant 3.840000e+02 : f32
    %div3A_199 = vector.broadcast %div3A_198 : f32 to vector<512x1xf32>
    %div3A_200 = arith.divf %broadcast_in_dim3A_197, %div3A_199 : vector<512x1xf32>
    %sub3A_201 = vector.broadcast %div3A_200 : vector<512x1xf32> to vector<512x384xf32>
    %sub3A_202 = arith.subf %add3A_183, %sub3A_201 : vector<512x384xf32>
    %square3A_203 = arith.mulf %sub3A_202, %sub3A_202 : vector<512x384xf32>
    %convert_element_type3A_204 = arith.sitofp %jit3A_194 : i32 to f32
    %sub3A_205 = arith.constant 3.840000e+02 : f32
    %sub3A_206 = arith.subf %sub3A_205, %convert_element_type3A_204 : f32
    %reduce_sum3A_207 = arith.constant dense<0.000000e+00> : vector<512xf32>
    %reduce_sum3A_208 = vector.multi_reduction <add>, %square3A_203, %reduce_sum3A_207 [1] : vector<512x384xf32> to vector<512xf32>
    %broadcast_in_dim3A_209 = vector.shape_cast %reduce_sum3A_208 : vector<512xf32> to vector<512x1xf32>
    %div3A_210 = vector.broadcast %sub3A_206 : f32 to vector<512x1xf32>
    %div3A_211 = arith.divf %broadcast_in_dim3A_209, %div3A_210 : vector<512x1xf32>
    %gt3A_212 = arith.constant 0.000000e+00 : f32
    %gt3A_213 = arith.cmpf ogt, %sub3A_206, %gt3A_212 : f32
    %jit3A_214 = arith.constant 0x7FC00000 : f32
    %broadcast_in_dim3A_215 = vector.broadcast %jit3A_214 : f32 to vector<512x1xf32>
    %select_n3A_216 = arith.select %gt3A_213, %div3A_211, %broadcast_in_dim3A_215 : vector<512x1xf32>
    %sub3A_217 = vector.broadcast %div3A_193 : vector<512x1xf32> to vector<512x384xf32>
    %sub3A_218 = arith.subf %add3A_183, %sub3A_217 : vector<512x384xf32>
    %add3A_219 = arith.constant 9.99999974E-6 : f32
    %add3A_220 = vector.broadcast %add3A_219 : f32 to vector<512x1xf32>
    %add3A_221 = arith.addf %select_n3A_216, %add3A_220 : vector<512x1xf32>
    %sqrt3A_222 = math.sqrt %add3A_221 : vector<512x1xf32>
    %div3A_223 = vector.broadcast %sqrt3A_222 : vector<512x1xf32> to vector<512x384xf32>
    %div3A_224 = arith.divf %sub3A_218, %div3A_223 : vector<512x384xf32>
    %broadcast_in_dim3A_225 = vector.shape_cast %get3A_185 : vector<384xf32> to vector<1x384xf32>
    %mul3A_226 = vector.broadcast %broadcast_in_dim3A_225 : vector<1x384xf32> to vector<512x384xf32>
    %mul3A_227 = arith.mulf %div3A_224, %mul3A_226 : vector<512x384xf32>
    %broadcast_in_dim3A_228 = vector.shape_cast %get3A_187 : vector<384xf32> to vector<1x384xf32>
    %add3A_229 = vector.broadcast %broadcast_in_dim3A_228 : vector<1x384xf32> to vector<512x384xf32>
    %add3A_230 = arith.addf %mul3A_227, %add3A_229 : vector<512x384xf32>
    %mul3A_231 = arith.constant 5.000000e-01 : f32
    %mul3A_232 = vector.broadcast %mul3A_231 : f32 to vector<512x384xf32>
    %mul3A_233 = arith.mulf %mul3A_232, %add3A_230 : vector<512x384xf32>
    %neg3A_234 = arith.constant 0.000000e+00 : f32
    %neg3A_235 = vector.broadcast %neg3A_234 : f32 to vector<512x384xf32>
    %neg3A_236 = arith.subf %neg3A_235, %add3A_230 : vector<512x384xf32>
    %mul3A_237 = arith.constant 0.707106769 : f32
    %mul3A_238 = vector.broadcast %mul3A_237 : f32 to vector<512x384xf32>
    %mul3A_239 = arith.mulf %neg3A_236, %mul3A_238 : vector<512x384xf32>
    %abs3A_240 = math.absf %mul3A_239 : vector<512x384xf32>
    %neg3A_241 = arith.constant 0.000000e+00 : f32
    %neg3A_242 = vector.broadcast %neg3A_241 : f32 to vector<512x384xf32>
    %neg3A_243 = arith.subf %neg3A_242, %mul3A_239 : vector<512x384xf32>
    %mul3A_244 = arith.mulf %neg3A_243, %mul3A_239 : vector<512x384xf32>
    %exp3A_245 = math.exp %mul3A_244 : vector<512x384xf32>
    %div3A_246 = arith.constant 1.000000e+00 : f32
    %div3A_247 = vector.broadcast %div3A_246 : f32 to vector<512x384xf32>
    %div3A_248 = arith.divf %div3A_247, %abs3A_240 : vector<512x384xf32>
    %mul3A_249 = arith.mulf %div3A_248, %div3A_248 : vector<512x384xf32>
    %lt3A_250 = arith.constant 2.000000e+00 : f32
    %lt3A_251 = vector.broadcast %lt3A_250 : f32 to vector<512x384xf32>
    %lt3A_252 = arith.cmpf olt, %abs3A_240, %lt3A_251 : vector<512x384xf32>
    %broadcast_in_dim3A_253 = arith.constant 2.326820e-02 : f32
    %broadcast_in_dim3A_254 = vector.broadcast %broadcast_in_dim3A_253 : f32 to vector<512x384xf32>
    %mul3A_255 = arith.mulf %broadcast_in_dim3A_254, %mul3A_249 : vector<512x384xf32>
    %add3A_256 = arith.constant -0.138703942 : f32
    %add3A_257 = vector.broadcast %add3A_256 : f32 to vector<512x384xf32>
    %add3A_258 = arith.addf %mul3A_255, %add3A_257 : vector<512x384xf32>
    %mul3A_259 = arith.mulf %add3A_258, %mul3A_249 : vector<512x384xf32>
    %add3A_260 = arith.constant 0.368742466 : f32
    %add3A_261 = vector.broadcast %add3A_260 : f32 to vector<512x384xf32>
    %add3A_262 = arith.addf %mul3A_259, %add3A_261 : vector<512x384xf32>
    %mul3A_263 = arith.mulf %add3A_262, %mul3A_249 : vector<512x384xf32>
    %add3A_264 = arith.constant -0.582473278 : f32
    %add3A_265 = vector.broadcast %add3A_264 : f32 to vector<512x384xf32>
    %add3A_266 = arith.addf %mul3A_263, %add3A_265 : vector<512x384xf32>
    %mul3A_267 = arith.mulf %add3A_266, %mul3A_249 : vector<512x384xf32>
    %add3A_268 = arith.constant 0.621000468 : f32
    %add3A_269 = vector.broadcast %add3A_268 : f32 to vector<512x384xf32>
    %add3A_270 = arith.addf %mul3A_267, %add3A_269 : vector<512x384xf32>
    %mul3A_271 = arith.mulf %add3A_270, %mul3A_249 : vector<512x384xf32>
    %add3A_272 = arith.constant -0.494451523 : f32
    %add3A_273 = vector.broadcast %add3A_272 : f32 to vector<512x384xf32>
    %add3A_274 = arith.addf %mul3A_271, %add3A_273 : vector<512x384xf32>
    %mul3A_275 = arith.mulf %add3A_274, %mul3A_249 : vector<512x384xf32>
    %add3A_276 = arith.constant 3.404880e-01 : f32
    %add3A_277 = vector.broadcast %add3A_276 : f32 to vector<512x384xf32>
    %add3A_278 = arith.addf %mul3A_275, %add3A_277 : vector<512x384xf32>
    %mul3A_279 = arith.mulf %add3A_278, %mul3A_249 : vector<512x384xf32>
    %add3A_280 = arith.constant -0.274112701 : f32
    %add3A_281 = vector.broadcast %add3A_280 : f32 to vector<512x384xf32>
    %add3A_282 = arith.addf %mul3A_279, %add3A_281 : vector<512x384xf32>
    %mul3A_283 = arith.mulf %add3A_282, %mul3A_249 : vector<512x384xf32>
    %add3A_284 = arith.constant 0.563825965 : f32
    %add3A_285 = vector.broadcast %add3A_284 : f32 to vector<512x384xf32>
    %add3A_286 = arith.addf %mul3A_283, %add3A_285 : vector<512x384xf32>
    %broadcast_in_dim3A_287 = arith.constant -10.477664 : f32
    %broadcast_in_dim3A_288 = vector.broadcast %broadcast_in_dim3A_287 : f32 to vector<512x384xf32>
    %mul3A_289 = arith.mulf %broadcast_in_dim3A_288, %mul3A_249 : vector<512x384xf32>
    %add3A_290 = arith.constant 1.297720e+01 : f32
    %add3A_291 = vector.broadcast %add3A_290 : f32 to vector<512x384xf32>
    %add3A_292 = arith.addf %mul3A_289, %add3A_291 : vector<512x384xf32>
    %mul3A_293 = arith.mulf %add3A_292, %mul3A_249 : vector<512x384xf32>
    %add3A_294 = arith.constant -7.49551868 : f32
    %add3A_295 = vector.broadcast %add3A_294 : f32 to vector<512x384xf32>
    %add3A_296 = arith.addf %mul3A_293, %add3A_295 : vector<512x384xf32>
    %mul3A_297 = arith.mulf %add3A_296, %mul3A_249 : vector<512x384xf32>
    %add3A_298 = arith.constant 2.92101908 : f32
    %add3A_299 = vector.broadcast %add3A_298 : f32 to vector<512x384xf32>
    %add3A_300 = arith.addf %mul3A_297, %add3A_299 : vector<512x384xf32>
    %mul3A_301 = arith.mulf %add3A_300, %mul3A_249 : vector<512x384xf32>
    %add3A_302 = arith.constant -1.01526523 : f32
    %add3A_303 = vector.broadcast %add3A_302 : f32 to vector<512x384xf32>
    %add3A_304 = arith.addf %mul3A_301, %add3A_303 : vector<512x384xf32>
    %mul3A_305 = arith.mulf %add3A_304, %mul3A_249 : vector<512x384xf32>
    %add3A_306 = arith.constant 0.42184633 : f32
    %add3A_307 = vector.broadcast %add3A_306 : f32 to vector<512x384xf32>
    %add3A_308 = arith.addf %mul3A_305, %add3A_307 : vector<512x384xf32>
    %mul3A_309 = arith.mulf %add3A_308, %mul3A_249 : vector<512x384xf32>
    %add3A_310 = arith.constant -0.282076746 : f32
    %add3A_311 = vector.broadcast %add3A_310 : f32 to vector<512x384xf32>
    %add3A_312 = arith.addf %mul3A_309, %add3A_311 : vector<512x384xf32>
    %mul3A_313 = arith.mulf %add3A_312, %mul3A_249 : vector<512x384xf32>
    %add3A_314 = arith.constant 0.564189494 : f32
    %add3A_315 = vector.broadcast %add3A_314 : f32 to vector<512x384xf32>
    %add3A_316 = arith.addf %mul3A_313, %add3A_315 : vector<512x384xf32>
    %select_n3A_317 = arith.select %lt3A_252, %add3A_286, %add3A_316 : vector<512x384xi1>, vector<512x384xf32>
    %mul3A_318 = arith.mulf %exp3A_245, %div3A_248 : vector<512x384xf32>
    %mul3A_319 = arith.mulf %mul3A_318, %select_n3A_317 : vector<512x384xf32>
    %lt3A_320 = arith.constant 0.000000e+00 : f32
    %lt3A_321 = vector.broadcast %lt3A_320 : f32 to vector<512x384xf32>
    %lt3A_322 = arith.cmpf olt, %mul3A_239, %lt3A_321 : vector<512x384xf32>
    %sub3A_323 = arith.constant 2.000000e+00 : f32
    %sub3A_324 = vector.broadcast %sub3A_323 : f32 to vector<512x384xf32>
    %sub3A_325 = arith.subf %sub3A_324, %mul3A_319 : vector<512x384xf32>
    %select_n3A_326 = arith.select %lt3A_322, %sub3A_325, %mul3A_319 : vector<512x384xi1>, vector<512x384xf32>
    %mul3A_327 = arith.mulf %mul3A_239, %mul3A_239 : vector<512x384xf32>
    %broadcast_in_dim3A_328 = arith.constant 7.85386146E-5 : f32
    %broadcast_in_dim3A_329 = vector.broadcast %broadcast_in_dim3A_328 : f32 to vector<512x384xf32>
    %mul3A_330 = arith.mulf %broadcast_in_dim3A_329, %mul3A_327 : vector<512x384xf32>
    %add3A_331 = arith.constant -8.0101937E-4 : f32
    %add3A_332 = vector.broadcast %add3A_331 : f32 to vector<512x384xf32>
    %add3A_333 = arith.addf %mul3A_330, %add3A_332 : vector<512x384xf32>
    %mul3A_334 = arith.mulf %add3A_333, %mul3A_327 : vector<512x384xf32>
    %add3A_335 = arith.constant 0.00518832775 : f32
    %add3A_336 = vector.broadcast %add3A_335 : f32 to vector<512x384xf32>
    %add3A_337 = arith.addf %mul3A_334, %add3A_336 : vector<512x384xf32>
    %mul3A_338 = arith.mulf %add3A_337, %mul3A_327 : vector<512x384xf32>
    %add3A_339 = arith.constant -0.0268538129 : f32
    %add3A_340 = vector.broadcast %add3A_339 : f32 to vector<512x384xf32>
    %add3A_341 = arith.addf %mul3A_338, %add3A_340 : vector<512x384xf32>
    %mul3A_342 = arith.mulf %add3A_341, %mul3A_327 : vector<512x384xf32>
    %add3A_343 = arith.constant 0.112835854 : f32
    %add3A_344 = vector.broadcast %add3A_343 : f32 to vector<512x384xf32>
    %add3A_345 = arith.addf %mul3A_342, %add3A_344 : vector<512x384xf32>
    %mul3A_346 = arith.mulf %add3A_345, %mul3A_327 : vector<512x384xf32>
    %add3A_347 = arith.constant -0.37612626 : f32
    %add3A_348 = vector.broadcast %add3A_347 : f32 to vector<512x384xf32>
    %add3A_349 = arith.addf %mul3A_346, %add3A_348 : vector<512x384xf32>
    %mul3A_350 = arith.mulf %add3A_349, %mul3A_327 : vector<512x384xf32>
    %add3A_351 = arith.constant 1.12837911 : f32
    %add3A_352 = vector.broadcast %add3A_351 : f32 to vector<512x384xf32>
    %add3A_353 = arith.addf %mul3A_350, %add3A_352 : vector<512x384xf32>
    %mul3A_354 = arith.mulf %mul3A_239, %add3A_353 : vector<512x384xf32>
    %gt3A_355 = arith.constant 1.000000e+00 : f32
    %gt3A_356 = vector.broadcast %gt3A_355 : f32 to vector<512x384xf32>
    %gt3A_357 = arith.cmpf ogt, %abs3A_240, %gt3A_356 : vector<512x384xf32>
    %sub3A_358 = arith.constant 1.000000e+00 : f32
    %sub3A_359 = vector.broadcast %sub3A_358 : f32 to vector<512x384xf32>
    %sub3A_360 = arith.subf %sub3A_359, %mul3A_354 : vector<512x384xf32>
    %select_n3A_361 = arith.select %gt3A_357, %select_n3A_326, %sub3A_360 : vector<512x384xi1>, vector<512x384xf32>
    %mul3A_362 = arith.mulf %mul3A_233, %select_n3A_361 : vector<512x384xf32>
    %get3A_363 = arith.constant 0 : index
    %get3A_364 = arith.constant 0 : index
    %get3A_365 = vector.load %arg10[%get3A_363, %get3A_364] : memref<384x256xf32, #tpu.memory_space<vmem>>, vector<384x256xf32>
    %dot_general3A_366 = arith.constant dense<0.000000e+00> : vector<512x256xf32>
    %dot_general3A_367 = tpu.matmul %mul3A_362, %get3A_365, %dot_general3A_366 {dimension_numbers = #tpu.dot_dimension_numbers<[1], [0], [0], [1], [0, 0, 1, 1], [], []>, transpose_lhs_hint = false} : vector<512x384xf32>, vector<384x256xf32>, vector<512x256xf32> -> vector<512x256xf32>
    %get3A_368 = arith.constant 0 : index
    %get3A_369 = vector.load %arg11[%get3A_368] : memref<256xf32, #tpu.memory_space<vmem>>, vector<256xf32>
    %broadcast_in_dim3A_370 = vector.shape_cast %get3A_369 : vector<256xf32> to vector<1x256xf32>
    %add3A_371 = vector.broadcast %broadcast_in_dim3A_370 : vector<1x256xf32> to vector<512x256xf32>
    %add3A_372 = arith.addf %dot_general3A_367, %add3A_371 : vector<512x256xf32>
    %swap3A = arith.constant 0 : index
    %swap3A_373 = arith.constant 0 : index
    %swap3A_374 = vector.load %arg14[%swap3A, %swap3A_373] : memref<512x256xf32, #tpu.memory_space<vmem>>, vector<512x256xf32>
    tpu.vector_store %arg14[%swap3A, %swap3A_373], %add3A_372 {strides = array<i32>} : memref<512x256xf32, #tpu.memory_space<vmem>>, vector<512x256xf32>,
    %get3A_375 = arith.constant 0 : index
    %get3A_376 = arith.constant 0 : index
    %get3A_377 = vector.load %arg12[%get3A_375, %get3A_376] : memref<256x8192xf32, #tpu.memory_space<vmem>>, vector<256x8192xf32>
    %dot_general3A_378 = arith.constant dense<0.000000e+00> : vector<512x8192xf32>
    %dot_general3A_379 = tpu.matmul %add3A_372, %get3A_377, %dot_general3A_378 {dimension_numbers = #tpu.dot_dimension_numbers<[1], [0], [0], [1], [0, 0, 1, 1], [], []>, transpose_lhs_hint = false} : vector<512x256xf32>, vector<256x8192xf32>, vector<512x8192xf32> -> vector<512x8192xf32>
    %mul3A_380 = arith.mulf %add3A_372, %add3A_372 : vector<512x256xf32>
    %reduce_sum3A_381 = arith.constant dense<0.000000e+00> : vector<512xf32>
    %reduce_sum3A_382 = vector.multi_reduction <add>, %mul3A_380, %reduce_sum3A_381 [1] : vector<512x256xf32> to vector<512xf32>
    %broadcast_in_dim3A_383 = vector.shape_cast %reduce_sum3A_382 : vector<512xf32> to vector<512x1xf32>
    %mul3A_384 = arith.constant 2.000000e+00 : f32
    %mul3A_385 = vector.broadcast %mul3A_384 : f32 to vector<512x8192xf32>
    %mul3A_386 = arith.mulf %mul3A_385, %dot_general3A_379 : vector<512x8192xf32>
    %sub3A_387 = vector.broadcast %broadcast_in_dim3A_383 : vector<512x1xf32> to vector<512x8192xf32>
    %sub3A_388 = arith.subf %sub3A_387, %mul3A_386 : vector<512x8192xf32>
    %get3A_389 = arith.constant 0 : index
    %get3A_390 = arith.constant 0 : index
    %get3A_391 = vector.load %arg13[%get3A_389, %get3A_390] : memref<1x8192xf32, #tpu.memory_space<vmem>>, vector<1x8192xf32>
    %add3A_392 = vector.broadcast %get3A_391 : vector<1x8192xf32> to vector<512x8192xf32>
    %add3A_393 = arith.addf %sub3A_388, %add3A_392 : vector<512x8192xf32>
    %reduce_min3A = arith.constant dense<0x7F800000> : vector<512xf32>
    %reduce_min3A_394 = vector.multi_reduction <minimumf>, %add3A_393, %reduce_min3A [1] : vector<512x8192xf32> to vector<512xf32>
    %broadcast_in_dim3A_395 = vector.shape_cast %reduce_min3A_394 : vector<512xf32> to vector<512x1xf32>
    %iota3A = tpu.iota {dimensions = array<i32: 1>} : vector<512x8192xi32>
    %eq3A = vector.broadcast %broadcast_in_dim3A_395 : vector<512x1xf32> to vector<512x8192xf32>
    %eq3A_396 = arith.cmpf oeq, %add3A_393, %eq3A : vector<512x8192xf32>
    %jit3A_397 = arith.constant 8192 : i32
    %broadcast_in_dim3A_398 = vector.broadcast %jit3A_397 : i32 to vector<512x8192xi32>
    %select_n3A_399 = arith.select %eq3A_396, %iota3A, %broadcast_in_dim3A_398 : vector<512x8192xi1>, vector<512x8192xi32>
    %reduce_min3A_400 = arith.constant dense<2147483647> : vector<512xi32>
    %reduce_min3A_401 = vector.multi_reduction <minsi>, %select_n3A_399, %reduce_min3A_400 [1] : vector<512x8192xi32> to vector<512xi32>
    %broadcast_in_dim3A_402 = vector.shape_cast %reduce_min3A_401 : vector<512xi32> to vector<512x1xi32>
    %swap3A_403 = arith.constant 0 : index
    %swap3A_404 = arith.constant 0 : index
    %swap3A_405 = vector.load %arg15[%swap3A_403, %swap3A_404] : memref<512x1xi32, #tpu.memory_space<vmem>>, vector<512x1xi32>
    tpu.vector_store %arg15[%swap3A_403, %swap3A_404], %broadcast_in_dim3A_402 {strides = array<i32>} : memref<512x1xi32, #tpu.memory_space<vmem>>, vector<512x1xi32>,
    return
  }
  func.func @transform_0(%arg0: i32) -> (i32, i32) {
    %c0_i32 = arith.constant 0 : i32
    %c0_i32_0 = arith.constant 0 : i32
    return %arg0, %c0_i32 : i32, i32
  }
  func.func @transform_1(%arg0: i32) -> (i32, i32) {
    %c0_i32 = arith.constant 0 : i32
    %c0_i32_0 = arith.constant 0 : i32
    %c0_i32_1 = arith.constant 0 : i32
    return %c0_i32, %c0_i32_0 : i32, i32
  }
  func.func @transform_2(%arg0: i32) -> i32 {
    %c0_i32 = arith.constant 0 : i32
    %c0_i32_0 = arith.constant 0 : i32
    return %c0_i32 : i32
  }
  func.func @transform_3(%arg0: i32) -> i32 {
    %c0_i32 = arith.constant 0 : i32
    %c0_i32_0 = arith.constant 0 : i32
    return %c0_i32 : i32
  }
  func.func @transform_4(%arg0: i32) -> i32 {
    %c0_i32 = arith.constant 0 : i32
    %c0_i32_0 = arith.constant 0 : i32
    return %c0_i32 : i32
  }
  func.func @transform_5(%arg0: i32) -> (i32, i32) {
    %c0_i32 = arith.constant 0 : i32
    %c0_i32_0 = arith.constant 0 : i32
    %c0_i32_1 = arith.constant 0 : i32
    return %c0_i32, %c0_i32_0 : i32, i32
  }
  func.func @transform_6(%arg0: i32) -> i32 {
    %c0_i32 = arith.constant 0 : i32
    %c0_i32_0 = arith.constant 0 : i32
    return %c0_i32 : i32
  }
  func.func @transform_7(%arg0: i32) -> i32 {
    %c0_i32 = arith.constant 0 : i32
    %c0_i32_0 = arith.constant 0 : i32
    return %c0_i32 : i32
  }
  func.func @transform_8(%arg0: i32) -> i32 {
    %c0_i32 = arith.constant 0 : i32
    %c0_i32_0 = arith.constant 0 : i32
    return %c0_i32 : i32
  }
  func.func @transform_9(%arg0: i32) -> (i32, i32) {
    %c0_i32 = arith.constant 0 : i32
    %c0_i32_0 = arith.constant 0 : i32
    %c0_i32_1 = arith.constant 0 : i32
    return %c0_i32, %c0_i32_0 : i32, i32
  }
  func.func @transform_10(%arg0: i32) -> i32 {
    %c0_i32 = arith.constant 0 : i32
    %c0_i32_0 = arith.constant 0 : i32
    return %c0_i32 : i32
  }
  func.func @transform_11(%arg0: i32) -> (i32, i32) {
    %c0_i32 = arith.constant 0 : i32
    %c0_i32_0 = arith.constant 0 : i32
    %c0_i32_1 = arith.constant 0 : i32
    return %c0_i32, %c0_i32_0 : i32, i32
  }
  func.func @transform_12(%arg0: i32) -> (i32, i32) {
    %c0_i32 = arith.constant 0 : i32
    %c0_i32_0 = arith.constant 0 : i32
    %c0_i32_1 = arith.constant 0 : i32
    return %c0_i32, %c0_i32_0 : i32, i32
  }
  func.func @transform_13(%arg0: i32) -> (i32, i32) {
    %c0_i32 = arith.constant 0 : i32
    %c0_i32_0 = arith.constant 0 : i32
    return %arg0, %c0_i32 : i32, i32
  }
  func.func @transform_14(%arg0: i32) -> (i32, i32) {
    %c0_i32 = arith.constant 0 : i32
    %c0_i32_0 = arith.constant 0 : i32
    return %arg0, %c0_i32 : i32, i32
  }
}

module attributes {stable_mosaic.version = 14 : i64} {
  func.func @_dec_body(%arg0: i32, %arg1: memref<512x256xf32, #tpu.memory_space<vmem>>, %arg2: memref<512x256xf32, #tpu.memory_space<vmem>>, %arg3: memref<512x768xf32, #tpu.memory_space<vmem>>, %arg4: memref<256x384xf32, #tpu.memory_space<vmem>>, %arg5: memref<384xf32, #tpu.memory_space<vmem>>, %arg6: memref<384xf32, #tpu.memory_space<vmem>>, %arg7: memref<384xf32, #tpu.memory_space<vmem>>, %arg8: memref<384x512xf32, #tpu.memory_space<vmem>>, %arg9: memref<512xf32, #tpu.memory_space<vmem>>, %arg10: memref<512xf32, #tpu.memory_space<vmem>>, %arg11: memref<512xf32, #tpu.memory_space<vmem>>, %arg12: memref<512x768xf32, #tpu.memory_space<vmem>>, %arg13: memref<768xf32, #tpu.memory_space<vmem>>, %arg14: memref<512x768xf32, #tpu.memory_space<vmem>>, %arg15: memref<512x256xf32, #tpu.memory_space<vmem>>, %arg16: memref<1x1x128xf32, #tpu.memory_space<vmem>>, %arg17: memref<1x1x128xf32, #tpu.memory_space<vmem>>) attributes {dimension_semantics = [#tpu.dimension_semantics<parallel>], iteration_bounds = array<i64: 32>, scalar_prefetch = 0 : i64, scratch_operands = 0 : i64, tpu.core_type = #tpu.core_type<tc>, window_params = [{transform_indices = @transform_0, window_bounds = array<i64: 512, 256>}, {transform_indices = @transform_1, window_bounds = array<i64: 512, 256>}, {transform_indices = @transform_2, window_bounds = array<i64: 512, 768>}, {pipeline_mode = #tpu.pipeline_mode<synchronous>, transform_indices = @transform_3, window_bounds = array<i64: 256, 384>}, {pipeline_mode = #tpu.pipeline_mode<synchronous>, transform_indices = @transform_4, window_bounds = array<i64: 384>}, {pipeline_mode = #tpu.pipeline_mode<synchronous>, transform_indices = @transform_5, window_bounds = array<i64: 384>}, {pipeline_mode = #tpu.pipeline_mode<synchronous>, transform_indices = @transform_6, window_bounds = array<i64: 384>}, {pipeline_mode = #tpu.pipeline_mode<synchronous>, transform_indices = @transform_7, window_bounds = array<i64: 384, 512>}, {pipeline_mode = #tpu.pipeline_mode<synchronous>, transform_indices = @transform_8, window_bounds = array<i64: 512>}, {pipeline_mode = #tpu.pipeline_mode<synchronous>, transform_indices = @transform_9, window_bounds = array<i64: 512>}, {pipeline_mode = #tpu.pipeline_mode<synchronous>, transform_indices = @transform_10, window_bounds = array<i64: 512>}, {pipeline_mode = #tpu.pipeline_mode<synchronous>, transform_indices = @transform_11, window_bounds = array<i64: 512, 768>}, {pipeline_mode = #tpu.pipeline_mode<synchronous>, transform_indices = @transform_12, window_bounds = array<i64: 768>}, {transform_indices = @transform_13, window_bounds = array<i64: 512, 768>}, {transform_indices = @transform_14, window_bounds = array<i64: 512, 256>}, {transform_indices = @transform_15, window_bounds = array<i64: 1, 1, 128>}, {transform_indices = @transform_16, window_bounds = array<i64: 1, 1, 128>}]} {
    %get3A = arith.constant 0 : index
    %get3A_0 = arith.constant 0 : index
    %get3A_1 = vector.load %arg1[%get3A, %get3A_0] : memref<512x256xf32, #tpu.memory_space<vmem>>, vector<512x256xf32>
    %get3A_2 = arith.constant 0 : index
    %get3A_3 = arith.constant 0 : index
    %get3A_4 = vector.load %arg2[%get3A_2, %get3A_3] : memref<512x256xf32, #tpu.memory_space<vmem>>, vector<512x256xf32>
    %sub3A = arith.subf %get3A_1, %get3A_4 : vector<512x256xf32>
    %add3A = arith.addf %get3A_4, %sub3A : vector<512x256xf32>
    %swap3A = arith.constant 0 : index
    %swap3A_5 = arith.constant 0 : index
    %swap3A_6 = vector.load %arg15[%swap3A, %swap3A_5] : memref<512x256xf32, #tpu.memory_space<vmem>>, vector<512x256xf32>
    tpu.vector_store %arg15[%swap3A, %swap3A_5], %add3A {strides = array<i32>} : memref<512x256xf32, #tpu.memory_space<vmem>>, vector<512x256xf32>,
    %get3A_7 = arith.constant 0 : index
    %get3A_8 = arith.constant 0 : index
    %get3A_9 = vector.load %arg4[%get3A_7, %get3A_8] : memref<256x384xf32, #tpu.memory_space<vmem>>, vector<256x384xf32>
    %dot_general3A = arith.constant dense<0.000000e+00> : vector<512x384xf32>
    %dot_general3A_10 = tpu.matmul %add3A, %get3A_9, %dot_general3A {dimension_numbers = #tpu.dot_dimension_numbers<[1], [0], [0], [1], [0, 0, 1, 1], [], []>, transpose_lhs_hint = false} : vector<512x256xf32>, vector<256x384xf32>, vector<512x384xf32> -> vector<512x384xf32>
    %get3A_11 = arith.constant 0 : index
    %get3A_12 = vector.load %arg5[%get3A_11] : memref<384xf32, #tpu.memory_space<vmem>>, vector<384xf32>
    %broadcast_in_dim3A = vector.shape_cast %get3A_12 : vector<384xf32> to vector<1x384xf32>
    %add3A_13 = vector.broadcast %broadcast_in_dim3A : vector<1x384xf32> to vector<512x384xf32>
    %add3A_14 = arith.addf %dot_general3A_10, %add3A_13 : vector<512x384xf32>
    %get3A_15 = arith.constant 0 : index
    %get3A_16 = vector.load %arg6[%get3A_15] : memref<384xf32, #tpu.memory_space<vmem>>, vector<384xf32>
    %get3A_17 = arith.constant 0 : index
    %get3A_18 = vector.load %arg7[%get3A_17] : memref<384xf32, #tpu.memory_space<vmem>>, vector<384xf32>
    %reduce_sum3A = arith.constant dense<0.000000e+00> : vector<512xf32>
    %reduce_sum3A_19 = vector.multi_reduction <add>, %add3A_14, %reduce_sum3A [1] : vector<512x384xf32> to vector<512xf32>
    %broadcast_in_dim3A_20 = vector.shape_cast %reduce_sum3A_19 : vector<512xf32> to vector<512x1xf32>
    %div3A = arith.constant 3.840000e+02 : f32
    %div3A_21 = vector.broadcast %div3A : f32 to vector<512x1xf32>
    %div3A_22 = arith.divf %broadcast_in_dim3A_20, %div3A_21 : vector<512x1xf32>
    %jit3A = arith.constant 0 : i32
    %reduce_sum3A_23 = arith.constant dense<0.000000e+00> : vector<512xf32>
    %reduce_sum3A_24 = vector.multi_reduction <add>, %add3A_14, %reduce_sum3A_23 [1] : vector<512x384xf32> to vector<512xf32>
    %broadcast_in_dim3A_25 = vector.shape_cast %reduce_sum3A_24 : vector<512xf32> to vector<512x1xf32>
    %div3A_26 = arith.constant 3.840000e+02 : f32
    %div3A_27 = vector.broadcast %div3A_26 : f32 to vector<512x1xf32>
    %div3A_28 = arith.divf %broadcast_in_dim3A_25, %div3A_27 : vector<512x1xf32>
    %sub3A_29 = vector.broadcast %div3A_28 : vector<512x1xf32> to vector<512x384xf32>
    %sub3A_30 = arith.subf %add3A_14, %sub3A_29 : vector<512x384xf32>
    %square3A = arith.mulf %sub3A_30, %sub3A_30 : vector<512x384xf32>
    %convert_element_type3A = arith.sitofp %jit3A : i32 to f32
    %sub3A_31 = arith.constant 3.840000e+02 : f32
    %sub3A_32 = arith.subf %sub3A_31, %convert_element_type3A : f32
    %reduce_sum3A_33 = arith.constant dense<0.000000e+00> : vector<512xf32>
    %reduce_sum3A_34 = vector.multi_reduction <add>, %square3A, %reduce_sum3A_33 [1] : vector<512x384xf32> to vector<512xf32>
    %broadcast_in_dim3A_35 = vector.shape_cast %reduce_sum3A_34 : vector<512xf32> to vector<512x1xf32>
    %div3A_36 = vector.broadcast %sub3A_32 : f32 to vector<512x1xf32>
    %div3A_37 = arith.divf %broadcast_in_dim3A_35, %div3A_36 : vector<512x1xf32>
    %gt3A = arith.constant 0.000000e+00 : f32
    %gt3A_38 = arith.cmpf ogt, %sub3A_32, %gt3A : f32
    %jit3A_39 = arith.constant 0x7FC00000 : f32
    %broadcast_in_dim3A_40 = vector.broadcast %jit3A_39 : f32 to vector<512x1xf32>
    %select_n3A = arith.select %gt3A_38, %div3A_37, %broadcast_in_dim3A_40 : vector<512x1xf32>
    %sub3A_41 = vector.broadcast %div3A_22 : vector<512x1xf32> to vector<512x384xf32>
    %sub3A_42 = arith.subf %add3A_14, %sub3A_41 : vector<512x384xf32>
    %add3A_43 = arith.constant 9.99999974E-6 : f32
    %add3A_44 = vector.broadcast %add3A_43 : f32 to vector<512x1xf32>
    %add3A_45 = arith.addf %select_n3A, %add3A_44 : vector<512x1xf32>
    %sqrt3A = math.sqrt %add3A_45 : vector<512x1xf32>
    %div3A_46 = vector.broadcast %sqrt3A : vector<512x1xf32> to vector<512x384xf32>
    %div3A_47 = arith.divf %sub3A_42, %div3A_46 : vector<512x384xf32>
    %broadcast_in_dim3A_48 = vector.shape_cast %get3A_16 : vector<384xf32> to vector<1x384xf32>
    %mul3A = vector.broadcast %broadcast_in_dim3A_48 : vector<1x384xf32> to vector<512x384xf32>
    %mul3A_49 = arith.mulf %div3A_47, %mul3A : vector<512x384xf32>
    %broadcast_in_dim3A_50 = vector.shape_cast %get3A_18 : vector<384xf32> to vector<1x384xf32>
    %add3A_51 = vector.broadcast %broadcast_in_dim3A_50 : vector<1x384xf32> to vector<512x384xf32>
    %add3A_52 = arith.addf %mul3A_49, %add3A_51 : vector<512x384xf32>
    %mul3A_53 = arith.constant 5.000000e-01 : f32
    %mul3A_54 = vector.broadcast %mul3A_53 : f32 to vector<512x384xf32>
    %mul3A_55 = arith.mulf %mul3A_54, %add3A_52 : vector<512x384xf32>
    %mul3A_56 = arith.constant 0.707106769 : f32
    %mul3A_57 = vector.broadcast %mul3A_56 : f32 to vector<512x384xf32>
    %mul3A_58 = arith.mulf %add3A_52, %mul3A_57 : vector<512x384xf32>
    %erf3A = math.erf %mul3A_58 : vector<512x384xf32>
    %add3A_59 = arith.constant 1.000000e+00 : f32
    %add3A_60 = vector.broadcast %add3A_59 : f32 to vector<512x384xf32>
    %add3A_61 = arith.addf %add3A_60, %erf3A : vector<512x384xf32>
    %mul3A_62 = arith.mulf %mul3A_55, %add3A_61 : vector<512x384xf32>
    %get3A_63 = arith.constant 0 : index
    %get3A_64 = arith.constant 0 : index
    %get3A_65 = vector.load %arg8[%get3A_63, %get3A_64] : memref<384x512xf32, #tpu.memory_space<vmem>>, vector<384x512xf32>
    %dot_general3A_66 = arith.constant dense<0.000000e+00> : vector<512x512xf32>
    %dot_general3A_67 = tpu.matmul %mul3A_62, %get3A_65, %dot_general3A_66 {dimension_numbers = #tpu.dot_dimension_numbers<[1], [0], [0], [1], [0, 0, 1, 1], [], []>, transpose_lhs_hint = false} : vector<512x384xf32>, vector<384x512xf32>, vector<512x512xf32> -> vector<512x512xf32>
    %get3A_68 = arith.constant 0 : index
    %get3A_69 = vector.load %arg9[%get3A_68] : memref<512xf32, #tpu.memory_space<vmem>>, vector<512xf32>
    %broadcast_in_dim3A_70 = vector.shape_cast %get3A_69 : vector<512xf32> to vector<1x512xf32>
    %add3A_71 = vector.broadcast %broadcast_in_dim3A_70 : vector<1x512xf32> to vector<512x512xf32>
    %add3A_72 = arith.addf %dot_general3A_67, %add3A_71 : vector<512x512xf32>
    %get3A_73 = arith.constant 0 : index
    %get3A_74 = vector.load %arg10[%get3A_73] : memref<512xf32, #tpu.memory_space<vmem>>, vector<512xf32>
    %get3A_75 = arith.constant 0 : index
    %get3A_76 = vector.load %arg11[%get3A_75] : memref<512xf32, #tpu.memory_space<vmem>>, vector<512xf32>
    %reduce_sum3A_77 = arith.constant dense<0.000000e+00> : vector<512xf32>
    %reduce_sum3A_78 = vector.multi_reduction <add>, %add3A_72, %reduce_sum3A_77 [1] : vector<512x512xf32> to vector<512xf32>
    %broadcast_in_dim3A_79 = vector.shape_cast %reduce_sum3A_78 : vector<512xf32> to vector<512x1xf32>
    %div3A_80 = arith.constant 5.120000e+02 : f32
    %div3A_81 = vector.broadcast %div3A_80 : f32 to vector<512x1xf32>
    %div3A_82 = arith.divf %broadcast_in_dim3A_79, %div3A_81 : vector<512x1xf32>
    %jit3A_83 = arith.constant 0 : i32
    %reduce_sum3A_84 = arith.constant dense<0.000000e+00> : vector<512xf32>
    %reduce_sum3A_85 = vector.multi_reduction <add>, %add3A_72, %reduce_sum3A_84 [1] : vector<512x512xf32> to vector<512xf32>
    %broadcast_in_dim3A_86 = vector.shape_cast %reduce_sum3A_85 : vector<512xf32> to vector<512x1xf32>
    %div3A_87 = arith.constant 5.120000e+02 : f32
    %div3A_88 = vector.broadcast %div3A_87 : f32 to vector<512x1xf32>
    %div3A_89 = arith.divf %broadcast_in_dim3A_86, %div3A_88 : vector<512x1xf32>
    %sub3A_90 = vector.broadcast %div3A_89 : vector<512x1xf32> to vector<512x512xf32>
    %sub3A_91 = arith.subf %add3A_72, %sub3A_90 : vector<512x512xf32>
    %square3A_92 = arith.mulf %sub3A_91, %sub3A_91 : vector<512x512xf32>
    %convert_element_type3A_93 = arith.sitofp %jit3A_83 : i32 to f32
    %sub3A_94 = arith.constant 5.120000e+02 : f32
    %sub3A_95 = arith.subf %sub3A_94, %convert_element_type3A_93 : f32
    %reduce_sum3A_96 = arith.constant dense<0.000000e+00> : vector<512xf32>
    %reduce_sum3A_97 = vector.multi_reduction <add>, %square3A_92, %reduce_sum3A_96 [1] : vector<512x512xf32> to vector<512xf32>
    %broadcast_in_dim3A_98 = vector.shape_cast %reduce_sum3A_97 : vector<512xf32> to vector<512x1xf32>
    %div3A_99 = vector.broadcast %sub3A_95 : f32 to vector<512x1xf32>
    %div3A_100 = arith.divf %broadcast_in_dim3A_98, %div3A_99 : vector<512x1xf32>
    %gt3A_101 = arith.constant 0.000000e+00 : f32
    %gt3A_102 = arith.cmpf ogt, %sub3A_95, %gt3A_101 : f32
    %jit3A_103 = arith.constant 0x7FC00000 : f32
    %broadcast_in_dim3A_104 = vector.broadcast %jit3A_103 : f32 to vector<512x1xf32>
    %select_n3A_105 = arith.select %gt3A_102, %div3A_100, %broadcast_in_dim3A_104 : vector<512x1xf32>
    %sub3A_106 = vector.broadcast %div3A_82 : vector<512x1xf32> to vector<512x512xf32>
    %sub3A_107 = arith.subf %add3A_72, %sub3A_106 : vector<512x512xf32>
    %add3A_108 = arith.constant 9.99999974E-6 : f32
    %add3A_109 = vector.broadcast %add3A_108 : f32 to vector<512x1xf32>
    %add3A_110 = arith.addf %select_n3A_105, %add3A_109 : vector<512x1xf32>
    %sqrt3A_111 = math.sqrt %add3A_110 : vector<512x1xf32>
    %div3A_112 = vector.broadcast %sqrt3A_111 : vector<512x1xf32> to vector<512x512xf32>
    %div3A_113 = arith.divf %sub3A_107, %div3A_112 : vector<512x512xf32>
    %broadcast_in_dim3A_114 = vector.shape_cast %get3A_74 : vector<512xf32> to vector<1x512xf32>
    %mul3A_115 = vector.broadcast %broadcast_in_dim3A_114 : vector<1x512xf32> to vector<512x512xf32>
    %mul3A_116 = arith.mulf %div3A_113, %mul3A_115 : vector<512x512xf32>
    %broadcast_in_dim3A_117 = vector.shape_cast %get3A_76 : vector<512xf32> to vector<1x512xf32>
    %add3A_118 = vector.broadcast %broadcast_in_dim3A_117 : vector<1x512xf32> to vector<512x512xf32>
    %add3A_119 = arith.addf %mul3A_116, %add3A_118 : vector<512x512xf32>
    %mul3A_120 = arith.constant 5.000000e-01 : f32
    %mul3A_121 = vector.broadcast %mul3A_120 : f32 to vector<512x512xf32>
    %mul3A_122 = arith.mulf %mul3A_121, %add3A_119 : vector<512x512xf32>
    %mul3A_123 = arith.constant 0.707106769 : f32
    %mul3A_124 = vector.broadcast %mul3A_123 : f32 to vector<512x512xf32>
    %mul3A_125 = arith.mulf %add3A_119, %mul3A_124 : vector<512x512xf32>
    %erf3A_126 = math.erf %mul3A_125 : vector<512x512xf32>
    %add3A_127 = arith.constant 1.000000e+00 : f32
    %add3A_128 = vector.broadcast %add3A_127 : f32 to vector<512x512xf32>
    %add3A_129 = arith.addf %add3A_128, %erf3A_126 : vector<512x512xf32>
    %mul3A_130 = arith.mulf %mul3A_122, %add3A_129 : vector<512x512xf32>
    %get3A_131 = arith.constant 0 : index
    %get3A_132 = arith.constant 0 : index
    %get3A_133 = vector.load %arg12[%get3A_131, %get3A_132] : memref<512x768xf32, #tpu.memory_space<vmem>>, vector<512x768xf32>
    %dot_general3A_134 = arith.constant dense<0.000000e+00> : vector<512x768xf32>
    %dot_general3A_135 = tpu.matmul %mul3A_130, %get3A_133, %dot_general3A_134 {dimension_numbers = #tpu.dot_dimension_numbers<[1], [0], [0], [1], [0, 0, 1, 1], [], []>, transpose_lhs_hint = false} : vector<512x512xf32>, vector<512x768xf32>, vector<512x768xf32> -> vector<512x768xf32>
    %get3A_136 = arith.constant 0 : index
    %get3A_137 = vector.load %arg13[%get3A_136] : memref<768xf32, #tpu.memory_space<vmem>>, vector<768xf32>
    %broadcast_in_dim3A_138 = vector.shape_cast %get3A_137 : vector<768xf32> to vector<1x768xf32>
    %add3A_139 = vector.broadcast %broadcast_in_dim3A_138 : vector<1x768xf32> to vector<512x768xf32>
    %add3A_140 = arith.addf %dot_general3A_135, %add3A_139 : vector<512x768xf32>
    %swap3A_141 = arith.constant 0 : index
    %swap3A_142 = arith.constant 0 : index
    %swap3A_143 = vector.load %arg14[%swap3A_141, %swap3A_142] : memref<512x768xf32, #tpu.memory_space<vmem>>, vector<512x768xf32>
    tpu.vector_store %arg14[%swap3A_141, %swap3A_142], %add3A_140 {strides = array<i32>} : memref<512x768xf32, #tpu.memory_space<vmem>>, vector<512x768xf32>,
    %broadcast_in_dim3A_144 = arith.constant 1.000000e+00 : f32
    %broadcast_in_dim3A_145 = vector.broadcast %broadcast_in_dim3A_144 : f32 to vector<1x1x128xf32>
    %get3A_146 = arith.constant 0 : index
    %get3A_147 = arith.constant 0 : index
    %get3A_148 = vector.load %arg3[%get3A_146, %get3A_147] : memref<512x768xf32, #tpu.memory_space<vmem>>, vector<512x768xf32>
    %sub3A_149 = arith.subf %add3A_140, %get3A_148 : vector<512x768xf32>
    %integer_pow3A = arith.mulf %sub3A_149, %sub3A_149 : vector<512x768xf32>
    %reduce_sum3A_150 = vector.shape_cast %integer_pow3A : vector<512x768xf32> to vector<1x512x768xf32>
    %reduce_sum3A_151 = arith.constant dense<0.000000e+00> : vector<1xf32>
    %reduce_sum3A_152 = vector.multi_reduction <add>, %reduce_sum3A_150, %reduce_sum3A_151 [1, 2] : vector<1x512x768xf32> to vector<1xf32>
    %reduce_sum3A_153 = vector.shape_cast %reduce_sum3A_152 : vector<1xf32> to vector<1x1x1xf32>
    %reduce_sum3A_154 = vector.extract %reduce_sum3A_153[0, 0, 0] : f32 from vector<1x1x1xf32>
    %mul3A_155 = vector.broadcast %reduce_sum3A_154 : f32 to vector<1x1x128xf32>
    %mul3A_156 = arith.mulf %mul3A_155, %broadcast_in_dim3A_145 : vector<1x1x128xf32>
    %swap3A_157 = arith.constant 0 : index
    %swap3A_158 = arith.constant 0 : index
    %swap3A_159 = arith.constant 0 : index
    %swap3A_160 = vector.load %arg16[%swap3A_157, %swap3A_158, %swap3A_159] : memref<1x1x128xf32, #tpu.memory_space<vmem>>, vector<1x1x128xf32>
    tpu.vector_store %arg16[%swap3A_157, %swap3A_158, %swap3A_159], %mul3A_156 {strides = array<i32>} : memref<1x1x128xf32, #tpu.memory_space<vmem>>, vector<1x1x128xf32>,
    %sub3A_161 = arith.subf %get3A_1, %get3A_4 : vector<512x256xf32>
    %integer_pow3A_162 = arith.mulf %sub3A_161, %sub3A_161 : vector<512x256xf32>
    %reduce_sum3A_163 = vector.shape_cast %integer_pow3A_162 : vector<512x256xf32> to vector<1x512x256xf32>
    %reduce_sum3A_164 = arith.constant dense<0.000000e+00> : vector<1xf32>
    %reduce_sum3A_165 = vector.multi_reduction <add>, %reduce_sum3A_163, %reduce_sum3A_164 [1, 2] : vector<1x512x256xf32> to vector<1xf32>
    %reduce_sum3A_166 = vector.shape_cast %reduce_sum3A_165 : vector<1xf32> to vector<1x1x1xf32>
    %reduce_sum3A_167 = vector.extract %reduce_sum3A_166[0, 0, 0] : f32 from vector<1x1x1xf32>
    %mul3A_168 = vector.broadcast %reduce_sum3A_167 : f32 to vector<1x1x128xf32>
    %mul3A_169 = arith.mulf %mul3A_168, %broadcast_in_dim3A_145 : vector<1x1x128xf32>
    %swap3A_170 = arith.constant 0 : index
    %swap3A_171 = arith.constant 0 : index
    %swap3A_172 = arith.constant 0 : index
    %swap3A_173 = vector.load %arg17[%swap3A_170, %swap3A_171, %swap3A_172] : memref<1x1x128xf32, #tpu.memory_space<vmem>>, vector<1x1x128xf32>
    tpu.vector_store %arg17[%swap3A_170, %swap3A_171, %swap3A_172], %mul3A_169 {strides = array<i32>} : memref<1x1x128xf32, #tpu.memory_space<vmem>>, vector<1x1x128xf32>,
    return
  }
  func.func @transform_0(%arg0: i32) -> (i32, i32) {
    %c0_i32 = arith.constant 0 : i32
    %c0_i32_0 = arith.constant 0 : i32
    return %arg0, %c0_i32 : i32, i32
  }
  func.func @transform_1(%arg0: i32) -> (i32, i32) {
    %c0_i32 = arith.constant 0 : i32
    %c0_i32_0 = arith.constant 0 : i32
    return %arg0, %c0_i32 : i32, i32
  }
  func.func @transform_2(%arg0: i32) -> (i32, i32) {
    %c0_i32 = arith.constant 0 : i32
    %c0_i32_0 = arith.constant 0 : i32
    return %arg0, %c0_i32 : i32, i32
  }
  func.func @transform_3(%arg0: i32) -> (i32, i32) {
    %c0_i32 = arith.constant 0 : i32
    %c0_i32_0 = arith.constant 0 : i32
    %c0_i32_1 = arith.constant 0 : i32
    return %c0_i32, %c0_i32_0 : i32, i32
  }
  func.func @transform_4(%arg0: i32) -> i32 {
    %c0_i32 = arith.constant 0 : i32
    %c0_i32_0 = arith.constant 0 : i32
    return %c0_i32 : i32
  }
  func.func @transform_5(%arg0: i32) -> i32 {
    %c0_i32 = arith.constant 0 : i32
    %c0_i32_0 = arith.constant 0 : i32
    return %c0_i32 : i32
  }
  func.func @transform_6(%arg0: i32) -> i32 {
    %c0_i32 = arith.constant 0 : i32
    %c0_i32_0 = arith.constant 0 : i32
    return %c0_i32 : i32
  }
  func.func @transform_7(%arg0: i32) -> (i32, i32) {
    %c0_i32 = arith.constant 0 : i32
    %c0_i32_0 = arith.constant 0 : i32
    %c0_i32_1 = arith.constant 0 : i32
    return %c0_i32, %c0_i32_0 : i32, i32
  }
  func.func @transform_8(%arg0: i32) -> i32 {
    %c0_i32 = arith.constant 0 : i32
    %c0_i32_0 = arith.constant 0 : i32
    return %c0_i32 : i32
  }
  func.func @transform_9(%arg0: i32) -> i32 {
    %c0_i32 = arith.constant 0 : i32
    %c0_i32_0 = arith.constant 0 : i32
    return %c0_i32 : i32
  }
  func.func @transform_10(%arg0: i32) -> i32 {
    %c0_i32 = arith.constant 0 : i32
    %c0_i32_0 = arith.constant 0 : i32
    return %c0_i32 : i32
  }
  func.func @transform_11(%arg0: i32) -> (i32, i32) {
    %c0_i32 = arith.constant 0 : i32
    %c0_i32_0 = arith.constant 0 : i32
    %c0_i32_1 = arith.constant 0 : i32
    return %c0_i32, %c0_i32_0 : i32, i32
  }
  func.func @transform_12(%arg0: i32) -> i32 {
    %c0_i32 = arith.constant 0 : i32
    %c0_i32_0 = arith.constant 0 : i32
    return %c0_i32 : i32
  }
  func.func @transform_13(%arg0: i32) -> (i32, i32) {
    %c0_i32 = arith.constant 0 : i32
    %c0_i32_0 = arith.constant 0 : i32
    return %arg0, %c0_i32 : i32, i32
  }
  func.func @transform_14(%arg0: i32) -> (i32, i32) {
    %c0_i32 = arith.constant 0 : i32
    %c0_i32_0 = arith.constant 0 : i32
    return %arg0, %c0_i32 : i32, i32
  }
  func.func @transform_15(%arg0: i32) -> (i32, i32, i32) {
    %c0_i32 = arith.constant 0 : i32
    %c0_i32_0 = arith.constant 0 : i32
    %c0_i32_1 = arith.constant 0 : i32
    return %arg0, %c0_i32, %c0_i32_0 : i32, i32, i32
  }
  func.func @transform_16(%arg0: i32) -> (i32, i32, i32) {
    %c0_i32 = arith.constant 0 : i32
    %c0_i32_0 = arith.constant 0 : i32
    %c0_i32_1 = arith.constant 0 : i32
    return %arg0, %c0_i32, %c0_i32_0 : i32, i32, i32
  }
}

</mosaic_0001>

<sc_bundles>
// kernel: kernel.6.cloned.1.call-start
scs
__scs_entry_jumppad:
0x0: {  	(pc) =	sbr.rel $0x88, $3  }
0x1: {  	(tag) =	ssettag $0x0;
	lr =	simm.s32 $0x1  }
0x2: {  	[smem:$0x3F8B] =	sst lr;
	_ =	strace $0xD0000000  }
0x3: {  	_ = 	snop  }
0x4: {  	_ = 	snop  }
0x5: {  	_ = 	snop  }
0x6: {  	_ = 	snop  }
0x7: {  	_ = 	snop  }
__scs_overlays_trampoline_lowered:
0x8: {  	[smem:$0x3F9A] =	sst s0  }
0x9: {  	[smem:$0x3F9B] =	sst s1  }
0xa: {  	[smem:$0x3F9C] =	sst s2  }
0xb: {  	[smem:$0x3F9D] =	sst s3  }
0xc: {  	[smem:$0x3F9E] =	sst s4  }
0xd: {  	[smem:$0x3F9F] =	sst s5  }
0xe: {  	[smem:$0x3FA0] =	sst s6  }
0xf: {  	[smem:$0x3FA1] =	sst s7  }
0x10: {  	[smem:$0x3FA2] =	sst s8  }
0x11: {  	[smem:$0x3FA3] =	sst s9;
	s0 =	simm.s32 @!p0 $0x0  }
0x12: {  	s1 =	sld [smem:$0x3F89];
	s0 =	simm.s32 @p0 $0x1  }
0x13: {  	[smem:$0x3FA4] =	sst s0;
	s0 =	simm.s32 @!p1 $0x0  }
0x14: {  	s2 =	sld [smem:$0x3F88];
	s0 =	simm.s32 @p1 $0x1  }
0x15: {  	[smem:$0x3FA5] =	sst s0;
	s0 =	simm.s32 @!p2 $0x0  }
0x16: {  	s3 =	sld [smem:$0x3FDB];
	s0 =	simm.s32 @p2 $0x1  }
0x17: {  	s4 =	simm.s32 $0x1BF5;
	[smem:$0x3FA7] =	sst s0  }
0x18: {  	s0 =	sld [smem:$0x3F8A];
	_ =	swait.ge [sflag:s4], $0x0  }
0x19: {  	s7 =	sld [smem:$0x3F8B]  }
0x1a: {  	s8 =	sadd.s32 $0xFFFFE003, lr  }
0x1b: {  	s9 =	sadd.s32 $0xFFFFFEF7, lr;
	s5 =	simm.s32 $0xFFFFFFFF;
	p2 =	slt.u32 s8, $0xFFFFF086  }
0x1c: {  	p1 =	slt.u32 s9, $0xF7A;
	s5 =	simm.s32 @!p2 $0x0  }
0x1d: {  	s5 =	simm.s32 @p1 $0x1;
	p0 =	seq.s32 s7, s2  }
0x1e: {  	s7 =	smul.u32 @!p0 $0xF7A, s2;
	p2 =	seq.s32 @!p0 s5, $0x0  }
0x1f: {  	s9 =	smul.u32 $0xF7A, s1;
	s8 =	simm.s32 @!p0 $0x1BF5;
	p2 =	por !p2, p0  }
0x20: {  	[sflag:s8] =	ssyncset.s32 @!p0 $0xFFFFF086;
	s6 =	sadd.s32 @!p0 s3, s7;
	s7 =	simm.s32 @!p0 $0x108  }
0x21: {  	s3 =	sadd.s32 s3, s9;
	s6 =	sadd.s32 @!p0 $0x88, s6;
	s7 =	simm.s32 @p2 $0x1082  }
0x22: {  	[simem:s7], [sflag:s8] =	dma.local @!p0 [hbm:s6], $0xF7A  }
0x23: {  	s9 =	sor.u32 $0xD0000000, s2;
	s6 =	simm.s32 $0x108;
	_ =	swait.ge @!p0 [sflag:s8], $0x0  }
0x24: {  	s3 =	sadd.s32 $0x88, s3;
	s6 =	simm.s32 @!p1 $0x1082;
	[sflag:s4] =	ssyncset.s32 $0xFFFFF086  }
0x25: {  	[simem:s6], [sflag:s4] =	dma.local [hbm:s3], $0xF7A  }
0x26: {  	[smem:$0x3F8B] =	sst s1;
	(tag) =	ssettag s2;
	_ =	strace s9  }
0x27: {  	s1 =	sld [smem:$0x3F9B]  }
0x28: {  	s2 =	sld [smem:$0x3F9C]  }
0x29: {  	s4 =	sld [smem:$0x3F9E]  }
0x2a: {  	p0 =	seq.s32 s5, $0x0;
	s5 =	sld [smem:$0x3F9F]  }
0x2b: {  	s6 =	sld [smem:$0x3FA0]  }
0x2c: {  	s7 =	sld [smem:$0x3FA1]  }
0x2d: {  	s3 =	simm.s32 $0x108;
	s8 =	sld [smem:$0x3FA2]  }
0x2e: {  	s3 =	simm.s32 @!p0 $0x1082;
	s9 =	sld [smem:$0x3FA3]  }
0x2f: {  	lr =	sadd.s32 s0, s3;
	s0 =	sld [smem:$0x3F9A]  }
0x30: {  	s3 =	sld [smem:$0x3F9D]  }
0x31: {  	[smem:$0x3FA6] =	sst s10  }
0x32: {  	s10 =	sld [smem:$0x3FA4];
	_ =	sdelay $0x3  }
0x33: {  	p0 =	seq.s32 s10, $0x1;
	s10 =	sld [smem:$0x3FA6];
	_ =	sdelay $0x3  }
0x34: {  	[smem:$0x3FA6] =	sst s10  }
0x35: {  	s10 =	sld [smem:$0x3FA5];
	_ =	sdelay $0x3  }
0x36: {  	p1 =	seq.s32 s10, $0x1;
	s10 =	sld [smem:$0x3FA6];
	_ =	sdelay $0x3  }
0x37: {  	[smem:$0x3FA6] =	sst s10  }
0x38: {  	s10 =	sld [smem:$0x3FA7]  }
0x39: {  	_ = 	snop;
	(pc) =	sbr.ind lr, $3  }
0x3a: {  	_ = 	snop  }
0x3b: {  	_ = 	snop  }
0x3c: {  	p2 =	seq.s32 s10, $0x1;
	s10 =	sld [smem:$0x3FA6]  }
0x3d: {  	_ =	shalt  }
0x3e: {  	_ =	shalt  }
0x3f: {  	_ =	shalt  }
0x40: {  	_ =	shalt  }
0x41: {  	_ =	shalt  }
0x42: {  	_ =	shalt  }
0x43: {  	_ =	shalt  }
0x44: {  	_ =	shalt  }
0x45: {  	_ =	shalt  }
0x46: {  	_ =	shalt  }
0x47: {  	_ =	shalt  }
0x48: {  	_ =	shalt  }
0x49: {  	_ =	shalt  }
0x4a: {  	_ =	shalt  }
0x4b: {  	_ =	shalt  }
0x4c: {  	_ =	shalt  }
0x4d: {  	_ =	shalt  }
0x4e: {  	_ =	shalt  }
0x4f: {  	_ =	shalt  }
0x50: {  	_ =	shalt  }
0x51: {  	_ =	shalt  }
0x52: {  	_ =	shalt  }
0x53: {  	_ =	shalt  }
0x54: {  	_ =	shalt  }
0x55: {  	_ =	shalt  }
0x56: {  	_ =	shalt  }
0x57: {  	_ =	shalt  }
0x58: {  	_ =	shalt  }
0x59: {  	_ =	shalt  }
0x5a: {  	_ =	shalt  }
0x5b: {  	_ =	shalt  }
0x5c: {  	_ =	shalt  }
0x5d: {  	_ =	shalt  }
0x5e: {  	_ =	shalt  }
0x5f: {  	_ =	shalt  }
0x60: {  	_ =	shalt  }
0x61: {  	_ =	shalt  }
0x62: {  	_ =	shalt  }
0x63: {  	_ =	shalt  }
0x64: {  	_ =	shalt  }
0x65: {  	_ =	shalt  }
0x66: {  	_ =	shalt  }
0x67: {  	_ =	shalt  }
0x68: {  	_ =	shalt  }
0x69: {  	_ =	shalt  }
0x6a: {  	_ =	shalt  }
0x6b: {  	_ =	shalt  }
0x6c: {  	_ =	shalt  }
0x6d: {  	_ =	shalt  }
0x6e: {  	_ =	shalt  }
0x6f: {  	_ =	shalt  }
0x70: {  	_ =	shalt  }
0x71: {  	_ =	shalt  }
0x72: {  	_ =	shalt  }
0x73: {  	_ =	shalt  }
0x74: {  	_ =	shalt  }
0x75: {  	_ =	shalt  }
0x76: {  	_ =	shalt  }
0x77: {  	_ =	shalt  }
0x78: {  	_ =	shalt  }
0x79: {  	_ =	shalt  }
0x7a: {  	_ =	shalt  }
0x7b: {  	_ =	shalt  }
0x7c: {  	_ =	shalt  }
0x7d: {  	_ =	shalt  }
0x7e: {  	_ =	shalt  }
0x7f: {  	_ =	shalt  }
0x80: {  	_ =	shalt  }
0x81: {  	_ =	shalt  }
0x82: {  	_ =	shalt  }
0x83: {  	_ =	shalt  }
0x84: {  	_ =	shalt  }
0x85: {  	_ =	shalt  }
0x86: {  	_ =	shalt  }
0x87: {  	_ =	shalt  }
.Lfunc_end0:
.L_simem_size_0:
called_computation_lowered:
.L_overlay_start_0:
0x88: {  	s2 =	sld [smem:$0x3FD9]  }
0x89: {  	s3 =	sld [smem:$0x3FFE];
	_ =	sdelay $0x1  }
0x8a: {  	s1 =	srdreg.scid  }
0x8b: {  	s0 =	sand.u32 $0x1, s1  }
0x8c: {  	s15 =	sshll.u32 s0, $0xA;
	s2 =	sadd.s32 s3, s2  }
0x8d: {  	s2 =	sadd.s32 s2, s15  }
0x8e: {  	[smem:$0x3FB2] =	sst s2  }
0x8f: {  	_ = 	snop  }
0x90: {  	s2 =	sld [smem:$0x3FD0];
	_ =	sdelay $0x2  }
0x91: {  	s4 =	simm.s32 $0xA;
	s5 =	simm.s32 $0x10;
	s16 =	sld [smem:$0x3FBE]  }
0x92: {  	[smem:s5], [sflag:s4] =	dma.local [hbm:s2], $0x1  }
0x93: {  	_ =	swait.eq [sflag:s4], $0x1  }
0x94: {  	[sflag:s4] =	ssyncset.done $0x0  }
0x95: {  	s17 =	sld [smem:$0x14];
	[sflag:s4] =	ssyncadd.s32 $0xFFFFFFFF  }
0x96: {  	s18 =	sld [smem:$0x16];
	(tm) =	ssettm $0x1  }
0x97: {  	s19 =	sld [smem:$0x3FFB];
	_ =	sdelay $0x3  }
0x98: {  	_ =	strace s19  }
0x99: {  	s5 =	sld [smem:$0x3FFC];
	_ =	sdelay $0x3  }
0x9a: {  	_ =	strace s5  }
0x9b: {  	s5 =	sld [smem:$0x3FFD];
	_ =	sdelay $0x3  }
0x9c: {  	_ =	strace s5  }
0x9d: {  	_ =	strace $0x8FFFFFFF  }
0x9e: {  	s20 =	sld [smem:$0x3FDB];
	_ =	sdelay $0x1  }
0x9f: {  	s6 =	simm.s32 $_scs_section_size  }
0xa0: {  	s7 =	simm.s32 $_size__tile_overlayer_lowered;
	s8 =	simm.s32 $_tile_overlayer_lowered  }
0xa1: {  	s23 =	simm.s32 $0x1BFF;
	s22 =	sshll.u32 s8, $0x1;
	s5 =	sadd.s32 s6, s20  }
0xa2: {  	s9 =	simm.s32 $0x0;
	s21 =	sshll.u32 s7, $0x1;
	s7 =	sadd.s32 s22, s5  }
0xa3: {  	[timem:s9], [sflag:s23] =	dma.local [hbm:s7], s21  }
0xa4: {  	_ =	swait.ge [sflag:s23], s21  }
0xa5: {  	s6 =	ssub.s32 $0x0, s21;
	[sflag:s23] =	ssyncset.done $0x0  }
0xa6: {  	[sflag:s23] =	ssyncadd.s32 s6;
	_ =	sdelay $0x1  }
0xa7: {  	s24 =	simm.s32 $0x1B8B  }
0xa8: {  	_ =	swait.ge [sflag:s24], $0x1  }
0xa9: {  	[sflag:s24] =	ssyncset.done $0x0  }
0xaa: {  	s25 =	simm.s32 $0x1B8E;
	[sflag:s24] =	ssyncadd.s32 $0xFFFFFFFF  }
0xab: {  	s26 =	simm.s32 $execute0_lowered;
	[smem:$0x3FD2] =	sst s25  }
0xac: {  	s6 =	sshll.u32 s26, $0x1;
	_ =	strace $0x80000046;
	[dreg:$0x1] =	wrdreg $0xFFFFFFFF  }
0xad: {  	s28 =	simm.s32 $_size_execute0_lowered;
	s5 =	sadd.s32 s5, s6;
	[dreg:$0x0] =	wrdreg $0x0  }
0xae: {  	s6 =	sshll.u32 s28, $0x1;
	[dreg:$0x2] =	wrdreg s5  }
0xaf: {  	[dreg:$0x3] =	wrdreg s6  }
0xb0: {  	[dreg:$0x4] =	wrdreg $0xC0  }
0xb1: {  	_ =	task [dreg:s9], $0x5FFFF  }
0xb2: {  	[dreg:$0x1] =	wrdreg $0xFFFFFFFF  }
0xb3: {  	[dreg:$0x0] =	wrdreg $0x60  }
0xb4: {  	[dreg:$0x2] =	wrdreg s16  }
0xb5: {  	[dreg:$0x3] =	wrdreg s17  }
0xb6: {  	[dreg:$0x4] =	wrdreg s18  }
0xb7: {  	[dreg:$0x5] =	wrdreg $0x9  }
0xb8: {  	_ =	task.clear_ibuf [dreg:s9], $0x6FFFF;
	_ =	strace $0x90000046  }
0xb9: {  	s29 =	simm.s32 $0x9;
	_ =	strace $0x80000048  }
0xba: {  	_ =	swait.ge [sflag:s29], $0x1  }
0xbb: {  	[sflag:s29] =	ssyncadd.s32 $0xFFFFFFFF  }
0xbc: {  	_ =	strace $0x90000048  }
0xbd: {  	_ =	sfence  }
0xbe: {  	s30 =	sld [smem:$0x0];
	_ =	sdelay $0x2  }
0xbf: {  	s31 =	sshll.u32 s1, $0xD;
	s1 =	sshrl.u32 s1, $0x2  }
0xc0: {  	s3 =	sand.u32 $0x4000, s31;
	s1 =	sadd.s32 s1, s30  }
0xc1: {  	s0 =	sor.u32 s3, s0;
	s1 =	sshll.u32 s1, $0x11  }
0xc2: {  	s0 =	sor.u32 s1, s0  }
0xc3: {  	s0 =	sadd.s32 $0x8F2B, s0  }
0xc4: {  	[sflag:s0] =	ssyncadd.remote.s32 $0x1  }
0xc5: {  	_ =	sfence.sel $0xFFFF  }
0xc6: {  	[dreg:$0x0] =	wrdreg $0xFFFFFFFF;
	(pc) =	sbr.abs _section_cstart, $3  }
0xc7: {  	[dreg:$0x1] =	wrdreg $0xFFFFFFFF  }
0xc8: {  	_ =	task.clear_ibuf [dreg:s9], $0x2FFFF;
	_ =	strace $0x9FFFFFFF  }
0xc9: {  	(tm) =	ssettm $0x7FFFFFFF  }
tec
execute0_lowered:
.L_overlay_start_1:
0x0: {  	(tag) =	ssettag $0x1  }
0x1: {  	s1 =	rddreg [dreg:$0x0]  }
0x2: {  	s0 =	rddreg [dreg:$0x1]  }
0x3: {  	s2 =	rddreg [dreg:$0x2];
	s3 =	srdreg.scid  }
0x4: {  	s5 =	stileid.u32;
	s14 =	simm.s32 $0x2;
	s16 =	simm.s32 $0x900  }
0x5: {  	s28 =	simm.s32 $0x5900;
	s29 =	simm.s32 $0x6100;
	s30 =	simm.s32 $0x6900  }
0x6: {  	s31 =	simm.s32 $0x7100;
	s10 =	simm.s32 $0xA100;
	s11 =	simm.s32 $0xA900  }
0x7: {  	s12 =	simm.s32 $0xB100;
	s4 =	sand.u32 $0x1, s3;
	s3 =	simm.s32 $0x0  }
0x8: {  	s5 =	sshll.u32 s5, $0xA;
	s6 =	sshll.u32 s4, $0x9;
	[smem:$0x7FF] =	sst s3  }
0x9: {  	s4 =	ssub.s32 $0x2, s4;
	s5 =	sor.u32 s6, s5;
	_ =	strace $0x80000047  }
0xa: {  	s9 =	sshrl.u32 s4, $0x1;
	s6 =	sshrl.u32 s5, $0x3;
	s7 =	sor.u32 $0x80, s5  }
0xb: {  	s18 =	sshll.u32 s5, $0x5;
	s20 =	sor.u32 $0x100, s5;
	s5 =	sor.u32 $0x180, s5  }
0xc: {  	s4 =	ssub.s32 s4, s9;
	s9 =	simm.s32 $0x9900;
	s6 =	sadd.s32 s0, s6  }
0xd: {  	s8 =	sshrl.u32 s7, $0x3;
	s19 =	sadd.s32 s2, s18;
	s21 =	sshrl.u32 s20, $0x3  }
0xe: {  	s7 =	sshll.u32 s7, $0x5;
	s23 =	sshrl.u32 s5, $0x3;
	s24 =	sshll.u32 s20, $0x5  }
0xf: {  	s5 =	sshll.u32 s5, $0x5;
	s4 =	smax.u32 s4, $0x1;
	s18 =	simm.s32 $0x1900  }
0x10: {  	s20 =	simm.s32 $0x2900;
	[dreg:$0x4] =	wrdreg s6;
	s17 =	sadd.s32 s0, s8  }
0x11: {  	[dreg:$0x6] =	wrdreg s19;
	s6 =	sadd.s32 s0, s21;
	s22 =	sadd.s32 s2, s7  }
0x12: {  	s0 =	sadd.s32 s0, s23;
	s25 =	sadd.s32 s2, s24;
	[dreg:$0x5] =	wrdreg s17  }
0x13: {  	s26 =	sadd.s32 s2, s5;
	s5 =	simm.s32 $0x3;
	[dreg:$0x7] =	wrdreg s6  }
0x14: {  	s19 =	simm.s32 $0x2100;
	s21 =	simm.s32 $0x3100;
	[dreg:$0x8] =	wrdreg s22  }
0x15: {  	s24 =	simm.s32 $0x4100;
	s23 =	simm.s32 $0x80;
	[dreg:$0x9] =	wrdreg s0  }
0x16: {  	v2 =	vlaneseq.u32;
	s7 =	simm.s32 $0x8900;
	s8 =	simm.s32 $0x9100;
	[dreg:$0xa] =	wrdreg s25  }
0x17: {  	vm0 =	vmmov $0xffff;
	v1 =	vshrl.u32 v2, $0x3;
	[dreg:$0xb] =	wrdreg s26;
	s6 =	simm.s32 $0x1;
	s17 =	simm.s32 $0x1100  }
0x18: {  	v0 =	vand.u32 $0x7, v2;
	v2 =	vor.u32 $0x8, v2;
	v1 =	vmul.u32 $0x8, v1;
	s22 =	simm.s32 $0x3900;
	s25 =	simm.s32 $0x4900;
	s26 =	simm.s32 $0x5100  }
.LBB2_1:
0x19: {  	s15 =	rddreg [dreg:$0x4]  }
0x1a: {  	[tilespmem:s3], [sflag:$0x3] =	stream.linear.gather [hbm4b:s15+s3], $0x80, $0x38;
	[tilespmem:$0x10100] =	vst v63  }
0x1b: {  	_ =	swait.ge [sflag:s5], $0x80  }
0x1c: {  	[sflag:s5] =	ssyncset.done $0x0  }
0x1d: {  	[sflag:s5] =	ssyncadd.s32 $0xFFFFFF80  }
0x1e: {  	v3 =	vld [tilespmem:$0x0];
	_ =	sdelay $0x4  }
0x1f: {  	v4 =	vshll.u32 v3, $0x1  }
0x20: {  	v3 =	vand.u32 $0x7, v3;
	v4 =	vand.u32 $0xFFFFFFF0, v4  }
0x21: {  	v3 =	vor.u32 v3, v4  }
0x22: {  	v4 =	vperm.xlane v3, v0;
	_ =	sdelay $0x1  }
0x23: {  	v3 =	vperm.xlane v3, v2;
	v4 =	vadd.s32 v1, v4;
	_ =	sdelay $0x1  }
0x24: {  	v3 =	vadd.s32 v1, v3;
	_ =	sdelay $0x1  }
0x25: {  	s0 =	simm.s32 $0x100  }
0x26: {  	[tilespmem:s0], [sflag:$0x1] =	stream.indirect_vreg.gather [hbm4b:s1+s3], $0x80, v4, vm0, $0xb8;
	[tilespmem:$0x10100] =	vst v63  }
0x27: {  	_ = 	snop  }
0x28: {  	[tilespmem:s16], [sflag:$0x1] =	stream.indirect_vreg.gather [hbm4b:s1+s3], $0x80, v3, vm0, $0xb8;
	[tilespmem:$0x10100] =	vst v63  }
0x29: {  	v3 =	vld [tilespmem:$0x10];
	_ =	sdelay $0x4  }
0x2a: {  	v33 =	vshll.u32 v3, $0x1  }
0x2b: {  	v3 =	vand.u32 $0x7, v3;
	v4 =	vand.u32 $0xFFFFFFF0, v33  }
0x2c: {  	v3 =	vor.u32 v3, v4  }
0x2d: {  	v4 =	vperm.xlane v3, v0;
	_ =	sdelay $0x1  }
0x2e: {  	v3 =	vperm.xlane v3, v2;
	v4 =	vadd.s32 v1, v4;
	_ =	sdelay $0x1  }
0x2f: {  	v3 =	vadd.s32 v1, v3;
	_ =	sdelay $0x2  }
0x30: {  	[tilespmem:s17], [sflag:$0x1] =	stream.indirect_vreg.gather [hbm4b:s1+s3], $0x80, v4, vm0, $0xb8;
	[tilespmem:$0x10100] =	vst v63  }
0x31: {  	_ = 	snop  }
0x32: {  	[tilespmem:s18], [sflag:$0x1] =	stream.indirect_vreg.gather [hbm4b:s1+s3], $0x80, v3, vm0, $0xb8;
	[tilespmem:$0x10100] =	vst v63  }
0x33: {  	v3 =	vld [tilespmem:$0x20];
	_ =	sdelay $0x4  }
0x34: {  	v34 =	vshll.u32 v3, $0x1  }
0x35: {  	v3 =	vand.u32 $0x7, v3;
	v4 =	vand.u32 $0xFFFFFFF0, v34  }
0x36: {  	v3 =	vor.u32 v3, v4  }
0x37: {  	v4 =	vperm.xlane v3, v0;
	_ =	sdelay $0x1  }
0x38: {  	v3 =	vperm.xlane v3, v2;
	v4 =	vadd.s32 v1, v4;
	_ =	sdelay $0x1  }
0x39: {  	v3 =	vadd.s32 v1, v3;
	_ =	sdelay $0x2  }
0x3a: {  	[tilespmem:s19], [sflag:$0x1] =	stream.indirect_vreg.gather [hbm4b:s1+s3], $0x80, v4, vm0, $0xb8;
	[tilespmem:$0x10100] =	vst v63  }
0x3b: {  	_ = 	snop  }
0x3c: {  	[tilespmem:s20], [sflag:$0x1] =	stream.indirect_vreg.gather [hbm4b:s1+s3], $0x80, v3, vm0, $0xb8;
	[tilespmem:$0x10100] =	vst v63  }
0x3d: {  	v3 =	vld [tilespmem:$0x30];
	_ =	sdelay $0x4  }
0x3e: {  	v35 =	vshll.u32 v3, $0x1  }
0x3f: {  	v3 =	vand.u32 $0x7, v3;
	v4 =	vand.u32 $0xFFFFFFF0, v35  }
0x40: {  	v3 =	vor.u32 v3, v4  }
0x41: {  	v4 =	vperm.xlane v3, v0;
	_ =	sdelay $0x1  }
0x42: {  	v3 =	vperm.xlane v3, v2;
	v4 =	vadd.s32 v1, v4;
	_ =	sdelay $0x1  }
0x43: {  	v3 =	vadd.s32 v1, v3;
	_ =	sdelay $0x2  }
0x44: {  	[tilespmem:s21], [sflag:$0x1] =	stream.indirect_vreg.gather [hbm4b:s1+s3], $0x80, v4, vm0, $0xb8;
	[tilespmem:$0x10100] =	vst v63  }
0x45: {  	_ = 	snop  }
0x46: {  	[tilespmem:s22], [sflag:$0x1] =	stream.indirect_vreg.gather [hbm4b:s1+s3], $0x80, v3, vm0, $0xb8;
	[tilespmem:$0x10100] =	vst v63  }
0x47: {  	v3 =	vld [tilespmem:$0x40];
	_ =	sdelay $0x4  }
0x48: {  	v36 =	vshll.u32 v3, $0x1  }
0x49: {  	v3 =	vand.u32 $0x7, v3;
	v4 =	vand.u32 $0xFFFFFFF0, v36  }
0x4a: {  	v3 =	vor.u32 v3, v4  }
0x4b: {  	v4 =	vperm.xlane v3, v0;
	_ =	sdelay $0x1  }
0x4c: {  	v3 =	vperm.xlane v3, v2;
	v4 =	vadd.s32 v1, v4;
	_ =	sdelay $0x1  }
0x4d: {  	v3 =	vadd.s32 v1, v3;
	_ =	sdelay $0x2  }
0x4e: {  	[tilespmem:s24], [sflag:$0x1] =	stream.indirect_vreg.gather [hbm4b:s1+s3], $0x80, v4, vm0, $0xb8;
	[tilespmem:$0x10100] =	vst v63  }
0x4f: {  	_ = 	snop  }
0x50: {  	[tilespmem:s25], [sflag:$0x1] =	stream.indirect_vreg.gather [hbm4b:s1+s3], $0x80, v3, vm0, $0xb8;
	[tilespmem:$0x10100] =	vst v63  }
0x51: {  	v3 =	vld [tilespmem:$0x50];
	_ =	sdelay $0x4  }
0x52: {  	v37 =	vshll.u32 v3, $0x1  }
0x53: {  	v3 =	vand.u32 $0x7, v3;
	v4 =	vand.u32 $0xFFFFFFF0, v37  }
0x54: {  	v3 =	vor.u32 v3, v4  }
0x55: {  	v4 =	vperm.xlane v3, v0;
	_ =	sdelay $0x1  }
0x56: {  	v3 =	vperm.xlane v3, v2;
	v4 =	vadd.s32 v1, v4;
	_ =	sdelay $0x1  }
0x57: {  	v3 =	vadd.s32 v1, v3;
	_ =	sdelay $0x2  }
0x58: {  	[tilespmem:s26], [sflag:$0x1] =	stream.indirect_vreg.gather [hbm4b:s1+s3], $0x80, v4, vm0, $0xb8;
	[tilespmem:$0x10100] =	vst v63  }
0x59: {  	_ = 	snop  }
0x5a: {  	[tilespmem:s28], [sflag:$0x1] =	stream.indirect_vreg.gather [hbm4b:s1+s3], $0x80, v3, vm0, $0xb8;
	[tilespmem:$0x10100] =	vst v63  }
0x5b: {  	v3 =	vld [tilespmem:$0x60];
	_ =	sdelay $0x4  }
0x5c: {  	v38 =	vshll.u32 v3, $0x1  }
0x5d: {  	v3 =	vand.u32 $0x7, v3;
	v4 =	vand.u32 $0xFFFFFFF0, v38  }
0x5e: {  	v3 =	vor.u32 v3, v4  }
0x5f: {  	v4 =	vperm.xlane v3, v0;
	_ =	sdelay $0x1  }
0x60: {  	v3 =	vperm.xlane v3, v2;
	v4 =	vadd.s32 v1, v4;
	_ =	sdelay $0x1  }
0x61: {  	v3 =	vadd.s32 v1, v3;
	_ =	sdelay $0x2  }
0x62: {  	[tilespmem:s29], [sflag:$0x1] =	stream.indirect_vreg.gather [hbm4b:s1+s3], $0x80, v4, vm0, $0xb8;
	[tilespmem:$0x10100] =	vst v63  }
0x63: {  	_ = 	snop  }
0x64: {  	[tilespmem:s30], [sflag:$0x1] =	stream.indirect_vreg.gather [hbm4b:s1+s3], $0x80, v3, vm0, $0xb8;
	[tilespmem:$0x10100] =	vst v63  }
0x65: {  	v3 =	vld [tilespmem:$0x70];
	_ =	sdelay $0x4  }
0x66: {  	v39 =	vshll.u32 v3, $0x1  }
0x67: {  	v3 =	vand.u32 $0x7, v3;
	v4 =	vand.u32 $0xFFFFFFF0, v39  }
0x68: {  	v3 =	vor.u32 v3, v4  }
0x69: {  	v4 =	vperm.xlane v3, v0;
	_ =	sdelay $0x1  }
0x6a: {  	v3 =	vperm.xlane v3, v2;
	v4 =	vadd.s32 v1, v4;
	_ =	sdelay $0x1  }
0x6b: {  	v3 =	vadd.s32 v1, v3;
	_ =	sdelay $0x2  }
0x6c: {  	[tilespmem:s31], [sflag:$0x1] =	stream.indirect_vreg.gather [hbm4b:s1+s3], $0x80, v4, vm0, $0xb8;
	[tilespmem:$0x10100] =	vst v63  }
0x6d: {  	s2 =	simm.s32 $0x7900  }
0x6e: {  	[tilespmem:s2], [sflag:$0x1] =	stream.indirect_vreg.gather [hbm4b:s1+s3], $0x80, v3, vm0, $0xb8;
	[tilespmem:$0x10100] =	vst v63  }
0x6f: {  	s13 =	rddreg [dreg:$0x5]  }
0x70: {  	[tilespmem:s23], [sflag:$0x3] =	stream.linear.gather [hbm4b:s13+s3], $0x80, $0x38;
	[tilespmem:$0x10100] =	vst v63  }
0x71: {  	_ =	swait.ge [sflag:s5], $0x80  }
0x72: {  	[sflag:s5] =	ssyncset.done $0x0  }
0x73: {  	[sflag:s5] =	ssyncadd.s32 $0xFFFFFF80  }
0x74: {  	v3 =	vld [tilespmem:$0x80];
	_ =	sdelay $0x4  }
0x75: {  	v40 =	vshll.u32 v3, $0x1  }
0x76: {  	v3 =	vand.u32 $0x7, v3;
	v4 =	vand.u32 $0xFFFFFFF0, v40  }
0x77: {  	v3 =	vor.u32 v3, v4  }
0x78: {  	v4 =	vperm.xlane v3, v0;
	_ =	sdelay $0x1  }
0x79: {  	v3 =	vperm.xlane v3, v2;
	v4 =	vadd.s32 v1, v4;
	_ =	sdelay $0x1  }
0x7a: {  	v3 =	vadd.s32 v1, v3;
	_ =	sdelay $0x1  }
0x7b: {  	s0 =	simm.s32 $0x8100  }
0x7c: {  	[tilespmem:s0], [sflag:$0x2] =	stream.indirect_vreg.gather [hbm4b:s1+s3], $0x80, v4, vm0, $0xb8;
	[tilespmem:$0x10100] =	vst v63  }
0x7d: {  	_ = 	snop  }
0x7e: {  	[tilespmem:s7], [sflag:$0x2] =	stream.indirect_vreg.gather [hbm4b:s1+s3], $0x80, v3, vm0, $0xb8;
	[tilespmem:$0x10100] =	vst v63  }
0x7f: {  	v3 =	vld [tilespmem:$0x90];
	_ =	sdelay $0x4  }
0x80: {  	v41 =	vshll.u32 v3, $0x1  }
0x81: {  	v3 =	vand.u32 $0x7, v3;
	v4 =	vand.u32 $0xFFFFFFF0, v41  }
0x82: {  	v3 =	vor.u32 v3, v4  }
0x83: {  	v4 =	vperm.xlane v3, v0;
	_ =	sdelay $0x1  }
0x84: {  	v3 =	vperm.xlane v3, v2;
	v4 =	vadd.s32 v1, v4;
	_ =	sdelay $0x1  }
0x85: {  	v3 =	vadd.s32 v1, v3;
	_ =	sdelay $0x2  }
0x86: {  	[tilespmem:s8], [sflag:$0x2] =	stream.indirect_vreg.gather [hbm4b:s1+s3], $0x80, v4, vm0, $0xb8;
	[tilespmem:$0x10100] =	vst v63  }
0x87: {  	_ = 	snop  }
0x88: {  	[tilespmem:s9], [sflag:$0x2] =	stream.indirect_vreg.gather [hbm4b:s1+s3], $0x80, v3, vm0, $0xb8;
	[tilespmem:$0x10100] =	vst v63  }
0x89: {  	v3 =	vld [tilespmem:$0xA0];
	_ =	sdelay $0x4  }
0x8a: {  	v42 =	vshll.u32 v3, $0x1  }
0x8b: {  	v3 =	vand.u32 $0x7, v3;
	v4 =	vand.u32 $0xFFFFFFF0, v42  }
0x8c: {  	v3 =	vor.u32 v3, v4  }
0x8d: {  	v4 =	vperm.xlane v3, v0;
	_ =	sdelay $0x1  }
0x8e: {  	v3 =	vperm.xlane v3, v2;
	v4 =	vadd.s32 v1, v4;
	_ =	sdelay $0x1  }
0x8f: {  	v3 =	vadd.s32 v1, v3;
	_ =	sdelay $0x2  }
0x90: {  	[tilespmem:s10], [sflag:$0x2] =	stream.indirect_vreg.gather [hbm4b:s1+s3], $0x80, v4, vm0, $0xb8;
	[tilespmem:$0x10100] =	vst v63  }
0x91: {  	_ = 	snop  }
0x92: {  	[tilespmem:s11], [sflag:$0x2] =	stream.indirect_vreg.gather [hbm4b:s1+s3], $0x80, v3, vm0, $0xb8;
	[tilespmem:$0x10100] =	vst v63  }
0x93: {  	v3 =	vld [tilespmem:$0xB0];
	_ =	sdelay $0x4  }
0x94: {  	v43 =	vshll.u32 v3, $0x1  }
0x95: {  	v3 =	vand.u32 $0x7, v3;
	v4 =	vand.u32 $0xFFFFFFF0, v43  }
0x96: {  	v3 =	vor.u32 v3, v4  }
0x97: {  	v4 =	vperm.xlane v3, v0;
	_ =	sdelay $0x1  }
0x98: {  	v3 =	vperm.xlane v3, v2;
	v4 =	vadd.s32 v1, v4;
	_ =	sdelay $0x1  }
0x99: {  	v3 =	vadd.s32 v1, v3;
	_ =	sdelay $0x2  }
0x9a: {  	[tilespmem:s12], [sflag:$0x2] =	stream.indirect_vreg.gather [hbm4b:s1+s3], $0x80, v4, vm0, $0xb8;
	[tilespmem:$0x10100] =	vst v63  }
0x9b: {  	s13 =	simm.s32 $0xB900  }
0x9c: {  	[tilespmem:s13], [sflag:$0x2] =	stream.indirect_vreg.gather [hbm4b:s1+s3], $0x80, v3, vm0, $0xb8;
	[tilespmem:$0x10100] =	vst v63  }
0x9d: {  	v3 =	vld [tilespmem:$0xC0];
	_ =	sdelay $0x4  }
0x9e: {  	v44 =	vshll.u32 v3, $0x1  }
0x9f: {  	v3 =	vand.u32 $0x7, v3;
	v4 =	vand.u32 $0xFFFFFFF0, v44  }
0xa0: {  	v3 =	vor.u32 v3, v4  }
0xa1: {  	v4 =	vperm.xlane v3, v0;
	_ =	sdelay $0x1  }
0xa2: {  	v3 =	vperm.xlane v3, v2;
	v4 =	vadd.s32 v1, v4;
	_ =	sdelay $0x1  }
0xa3: {  	v3 =	vadd.s32 v1, v3;
	_ =	sdelay $0x1  }
0xa4: {  	s15 =	simm.s32 $0xC100  }
0xa5: {  	[tilespmem:s15], [sflag:$0x2] =	stream.indirect_vreg.gather [hbm4b:s1+s3], $0x80, v4, vm0, $0xb8;
	[tilespmem:$0x10100] =	vst v63  }
0xa6: {  	s15 =	simm.s32 $0xC900  }
0xa7: {  	[tilespmem:s15], [sflag:$0x2] =	stream.indirect_vreg.gather [hbm4b:s1+s3], $0x80, v3, vm0, $0xb8;
	[tilespmem:$0x10100] =	vst v63  }
0xa8: {  	v3 =	vld [tilespmem:$0xD0];
	_ =	sdelay $0x4  }
0xa9: {  	v45 =	vshll.u32 v3, $0x1  }
0xaa: {  	v3 =	vand.u32 $0x7, v3;
	v4 =	vand.u32 $0xFFFFFFF0, v45  }
0xab: {  	v3 =	vor.u32 v3, v4  }
0xac: {  	v4 =	vperm.xlane v3, v0;
	_ =	sdelay $0x1  }
0xad: {  	v3 =	vperm.xlane v3, v2;
	v4 =	vadd.s32 v1, v4;
	_ =	sdelay $0x1  }
0xae: {  	v3 =	vadd.s32 v1, v3;
	_ =	sdelay $0x1  }
0xaf: {  	s15 =	simm.s32 $0xD100  }
0xb0: {  	[tilespmem:s15], [sflag:$0x2] =	stream.indirect_vreg.gather [hbm4b:s1+s3], $0x80, v4, vm0, $0xb8;
	[tilespmem:$0x10100] =	vst v63  }
0xb1: {  	s15 =	simm.s32 $0xD900  }
0xb2: {  	[tilespmem:s15], [sflag:$0x2] =	stream.indirect_vreg.gather [hbm4b:s1+s3], $0x80, v3, vm0, $0xb8;
	[tilespmem:$0x10100] =	vst v63  }
0xb3: {  	v3 =	vld [tilespmem:$0xE0];
	_ =	sdelay $0x4  }
0xb4: {  	v46 =	vshll.u32 v3, $0x1  }
0xb5: {  	v3 =	vand.u32 $0x7, v3;
	v4 =	vand.u32 $0xFFFFFFF0, v46  }
0xb6: {  	v3 =	vor.u32 v3, v4  }
0xb7: {  	v4 =	vperm.xlane v3, v0;
	_ =	sdelay $0x1  }
0xb8: {  	v3 =	vperm.xlane v3, v2;
	v4 =	vadd.s32 v1, v4;
	_ =	sdelay $0x1  }
0xb9: {  	v3 =	vadd.s32 v1, v3;
	_ =	sdelay $0x1  }
0xba: {  	s15 =	simm.s32 $0xE100  }
0xbb: {  	[tilespmem:s15], [sflag:$0x2] =	stream.indirect_vreg.gather [hbm4b:s1+s3], $0x80, v4, vm0, $0xb8;
	[tilespmem:$0x10100] =	vst v63  }
0xbc: {  	s15 =	simm.s32 $0xE900  }
0xbd: {  	[tilespmem:s15], [sflag:$0x2] =	stream.indirect_vreg.gather [hbm4b:s1+s3], $0x80, v3, vm0, $0xb8;
	[tilespmem:$0x10100] =	vst v63  }
0xbe: {  	v3 =	vld [tilespmem:$0xF0];
	_ =	sdelay $0x4  }
0xbf: {  	v47 =	vshll.u32 v3, $0x1  }
0xc0: {  	v3 =	vand.u32 $0x7, v3;
	v4 =	vand.u32 $0xFFFFFFF0, v47  }
0xc1: {  	v3 =	vor.u32 v3, v4  }
0xc2: {  	v4 =	vperm.xlane v3, v0;
	_ =	sdelay $0x1  }
0xc3: {  	v3 =	vperm.xlane v3, v2;
	v4 =	vadd.s32 v1, v4;
	_ =	sdelay $0x1  }
0xc4: {  	v3 =	vadd.s32 v1, v3;
	_ =	sdelay $0x1  }
0xc5: {  	s15 =	simm.s32 $0xF100  }
0xc6: {  	[tilespmem:s15], [sflag:$0x2] =	stream.indirect_vreg.gather [hbm4b:s1+s3], $0x80, v4, vm0, $0xb8;
	[tilespmem:$0x10100] =	vst v63  }
0xc7: {  	s15 =	simm.s32 $0xF900  }
0xc8: {  	[tilespmem:s15], [sflag:$0x2] =	stream.indirect_vreg.gather [hbm4b:s1+s3], $0x80, v3, vm0, $0xb8;
	[tilespmem:$0x10100] =	vst v63  }
0xc9: {  	_ =	swait.ge [sflag:s6], $0x8000  }
0xca: {  	[sflag:s6] =	ssyncset.done $0x0  }
0xcb: {  	s13 =	simm.s32 $0x100;
	s15 =	rddreg [dreg:$0x6];
	[sflag:s6] =	ssyncadd.s32 $0xFFFF8000  }
0xcc: {  	[hbm4b:s15+s3] =	stream.linear.scatter [tilespmem:s13], [sflag:$0x3], $0x8000, $0x38;
	[tilespmem:$0x10100] =	vst v63  }
0xcd: {  	_ =	swait.ge [sflag:s5], $0x8000  }
0xce: {  	[sflag:s5] =	ssyncset.done $0x0  }
0xcf: {  	s15 =	rddreg [dreg:$0x7];
	[sflag:s5] =	ssyncadd.s32 $0xFFFF8000  }
0xd0: {  	[tilespmem:s3], [sflag:$0x3] =	stream.linear.gather [hbm4b:s15+s3], $0x80, $0x38;
	[tilespmem:$0x10100] =	vst v63  }
0xd1: {  	_ =	swait.ge [sflag:s5], $0x80  }
0xd2: {  	[sflag:s5] =	ssyncset.done $0x0  }
0xd3: {  	[sflag:s5] =	ssyncadd.s32 $0xFFFFFF80  }
0xd4: {  	v3 =	vld [tilespmem:$0x0];
	_ =	sdelay $0x4  }
0xd5: {  	v48 =	vshll.u32 v3, $0x1  }
0xd6: {  	v3 =	vand.u32 $0x7, v3;
	v4 =	vand.u32 $0xFFFFFFF0, v48  }
0xd7: {  	v3 =	vor.u32 v3, v4  }
0xd8: {  	v4 =	vperm.xlane v3, v0;
	_ =	sdelay $0x1  }
0xd9: {  	v3 =	vperm.xlane v3, v2;
	v4 =	vadd.s32 v1, v4;
	_ =	sdelay $0x1  }
0xda: {  	v3 =	vadd.s32 v1, v3;
	_ =	sdelay $0x2  }
0xdb: {  	[tilespmem:s13], [sflag:$0x1] =	stream.indirect_vreg.gather [hbm4b:s1+s3], $0x80, v4, vm0, $0xb8;
	[tilespmem:$0x10100] =	vst v63  }
0xdc: {  	_ = 	snop  }
0xdd: {  	[tilespmem:s16], [sflag:$0x1] =	stream.indirect_vreg.gather [hbm4b:s1+s3], $0x80, v3, vm0, $0xb8;
	[tilespmem:$0x10100] =	vst v63  }
0xde: {  	v3 =	vld [tilespmem:$0x10];
	_ =	sdelay $0x4  }
0xdf: {  	v49 =	vshll.u32 v3, $0x1  }
0xe0: {  	v3 =	vand.u32 $0x7, v3;
	v4 =	vand.u32 $0xFFFFFFF0, v49  }
0xe1: {  	v3 =	vor.u32 v3, v4  }
0xe2: {  	v4 =	vperm.xlane v3, v0;
	_ =	sdelay $0x1  }
0xe3: {  	v3 =	vperm.xlane v3, v2;
	v4 =	vadd.s32 v1, v4;
	_ =	sdelay $0x1  }
0xe4: {  	v3 =	vadd.s32 v1, v3;
	_ =	sdelay $0x2  }
0xe5: {  	[tilespmem:s17], [sflag:$0x1] =	stream.indirect_vreg.gather [hbm4b:s1+s3], $0x80, v4, vm0, $0xb8;
	[tilespmem:$0x10100] =	vst v63  }
0xe6: {  	_ = 	snop  }
0xe7: {  	[tilespmem:s18], [sflag:$0x1] =	stream.indirect_vreg.gather [hbm4b:s1+s3], $0x80, v3, vm0, $0xb8;
	[tilespmem:$0x10100] =	vst v63  }
0xe8: {  	v3 =	vld [tilespmem:$0x20];
	_ =	sdelay $0x4  }
0xe9: {  	v50 =	vshll.u32 v3, $0x1  }
0xea: {  	v3 =	vand.u32 $0x7, v3;
	v4 =	vand.u32 $0xFFFFFFF0, v50  }
0xeb: {  	v3 =	vor.u32 v3, v4  }
0xec: {  	v4 =	vperm.xlane v3, v0;
	_ =	sdelay $0x1  }
0xed: {  	v3 =	vperm.xlane v3, v2;
	v4 =	vadd.s32 v1, v4;
	_ =	sdelay $0x1  }
0xee: {  	v3 =	vadd.s32 v1, v3;
	_ =	sdelay $0x2  }
0xef: {  	[tilespmem:s19], [sflag:$0x1] =	stream.indirect_vreg.gather [hbm4b:s1+s3], $0x80, v4, vm0, $0xb8;
	[tilespmem:$0x10100] =	vst v63  }
0xf0: {  	_ = 	snop  }
0xf1: {  	[tilespmem:s20], [sflag:$0x1] =	stream.indirect_vreg.gather [hbm4b:s1+s3], $0x80, v3, vm0, $0xb8;
	[tilespmem:$0x10100] =	vst v63  }
0xf2: {  	v3 =	vld [tilespmem:$0x30];
	_ =	sdelay $0x4  }
0xf3: {  	v51 =	vshll.u32 v3, $0x1  }
0xf4: {  	v3 =	vand.u32 $0x7, v3;
	v4 =	vand.u32 $0xFFFFFFF0, v51  }
0xf5: {  	v3 =	vor.u32 v3, v4  }
0xf6: {  	v4 =	vperm.xlane v3, v0;
	_ =	sdelay $0x1  }
0xf7: {  	v3 =	vperm.xlane v3, v2;
	v4 =	vadd.s32 v1, v4;
	_ =	sdelay $0x1  }
0xf8: {  	v3 =	vadd.s32 v1, v3;
	_ =	sdelay $0x2  }
0xf9: {  	[tilespmem:s21], [sflag:$0x1] =	stream.indirect_vreg.gather [hbm4b:s1+s3], $0x80, v4, vm0, $0xb8;
	[tilespmem:$0x10100] =	vst v63  }
0xfa: {  	_ = 	snop  }
0xfb: {  	[tilespmem:s22], [sflag:$0x1] =	stream.indirect_vreg.gather [hbm4b:s1+s3], $0x80, v3, vm0, $0xb8;
	[tilespmem:$0x10100] =	vst v63  }
0xfc: {  	v3 =	vld [tilespmem:$0x40];
	_ =	sdelay $0x4  }
0xfd: {  	v52 =	vshll.u32 v3, $0x1  }
0xfe: {  	v3 =	vand.u32 $0x7, v3;
	v4 =	vand.u32 $0xFFFFFFF0, v52  }
0xff: {  	v3 =	vor.u32 v3, v4  }
0x100: {  	v4 =	vperm.xlane v3, v0;
	_ =	sdelay $0x1  }
0x101: {  	v3 =	vperm.xlane v3, v2;
	v4 =	vadd.s32 v1, v4;
	_ =	sdelay $0x1  }
0x102: {  	v3 =	vadd.s32 v1, v3;
	_ =	sdelay $0x2  }
0x103: {  	[tilespmem:s24], [sflag:$0x1] =	stream.indirect_vreg.gather [hbm4b:s1+s3], $0x80, v4, vm0, $0xb8;
	[tilespmem:$0x10100] =	vst v63  }
0x104: {  	_ = 	snop  }
0x105: {  	[tilespmem:s25], [sflag:$0x1] =	stream.indirect_vreg.gather [hbm4b:s1+s3], $0x80, v3, vm0, $0xb8;
	[tilespmem:$0x10100] =	vst v63  }
0x106: {  	v3 =	vld [tilespmem:$0x50];
	_ =	sdelay $0x4  }
0x107: {  	v53 =	vshll.u32 v3, $0x1  }
0x108: {  	v3 =	vand.u32 $0x7, v3;
	v4 =	vand.u32 $0xFFFFFFF0, v53  }
0x109: {  	v3 =	vor.u32 v3, v4  }
0x10a: {  	v4 =	vperm.xlane v3, v0;
	_ =	sdelay $0x1  }
0x10b: {  	v3 =	vperm.xlane v3, v2;
	v4 =	vadd.s32 v1, v4;
	_ =	sdelay $0x1  }
0x10c: {  	v3 =	vadd.s32 v1, v3;
	_ =	sdelay $0x2  }
0x10d: {  	[tilespmem:s26], [sflag:$0x1] =	stream.indirect_vreg.gather [hbm4b:s1+s3], $0x80, v4, vm0, $0xb8;
	[tilespmem:$0x10100] =	vst v63  }
0x10e: {  	_ = 	snop  }
0x10f: {  	[tilespmem:s28], [sflag:$0x1] =	stream.indirect_vreg.gather [hbm4b:s1+s3], $0x80, v3, vm0, $0xb8;
	[tilespmem:$0x10100] =	vst v63  }
0x110: {  	v3 =	vld [tilespmem:$0x60];
	_ =	sdelay $0x4  }
0x111: {  	v54 =	vshll.u32 v3, $0x1  }
0x112: {  	v3 =	vand.u32 $0x7, v3;
	v4 =	vand.u32 $0xFFFFFFF0, v54  }
0x113: {  	v3 =	vor.u32 v3, v4  }
0x114: {  	v4 =	vperm.xlane v3, v0;
	_ =	sdelay $0x1  }
0x115: {  	v3 =	vperm.xlane v3, v2;
	v4 =	vadd.s32 v1, v4;
	_ =	sdelay $0x1  }
0x116: {  	v3 =	vadd.s32 v1, v3;
	_ =	sdelay $0x2  }
0x117: {  	[tilespmem:s29], [sflag:$0x1] =	stream.indirect_vreg.gather [hbm4b:s1+s3], $0x80, v4, vm0, $0xb8;
	[tilespmem:$0x10100] =	vst v63  }
0x118: {  	_ = 	snop  }
0x119: {  	[tilespmem:s30], [sflag:$0x1] =	stream.indirect_vreg.gather [hbm4b:s1+s3], $0x80, v3, vm0, $0xb8;
	[tilespmem:$0x10100] =	vst v63  }
0x11a: {  	v3 =	vld [tilespmem:$0x70];
	_ =	sdelay $0x4  }
0x11b: {  	v55 =	vshll.u32 v3, $0x1  }
0x11c: {  	v3 =	vand.u32 $0x7, v3;
	v4 =	vand.u32 $0xFFFFFFF0, v55  }
0x11d: {  	v3 =	vor.u32 v3, v4  }
0x11e: {  	v4 =	vperm.xlane v3, v0;
	_ =	sdelay $0x1  }
0x11f: {  	v3 =	vperm.xlane v3, v2;
	v4 =	vadd.s32 v1, v4;
	_ =	sdelay $0x1  }
0x120: {  	v3 =	vadd.s32 v1, v3;
	_ =	sdelay $0x2  }
0x121: {  	[tilespmem:s31], [sflag:$0x1] =	stream.indirect_vreg.gather [hbm4b:s1+s3], $0x80, v4, vm0, $0xb8;
	[tilespmem:$0x10100] =	vst v63  }
0x122: {  	_ = 	snop  }
0x123: {  	[tilespmem:s2], [sflag:$0x1] =	stream.indirect_vreg.gather [hbm4b:s1+s3], $0x80, v3, vm0, $0xb8;
	[tilespmem:$0x10100] =	vst v63  }
0x124: {  	_ =	swait.ge [sflag:s14], $0x8000  }
0x125: {  	[sflag:s14] =	ssyncset.done $0x0  }
0x126: {  	s2 =	rddreg [dreg:$0x8];
	[sflag:s14] =	ssyncadd.s32 $0xFFFF8000  }
0x127: {  	[hbm4b:s2+s3] =	stream.linear.scatter [tilespmem:s0], [sflag:$0x3], $0x8000, $0x38;
	[tilespmem:$0x10100] =	vst v63  }
0x128: {  	_ =	swait.ge [sflag:s5], $0x8000  }
0x129: {  	[sflag:s5] =	ssyncset.done $0x0  }
0x12a: {  	s2 =	rddreg [dreg:$0x9];
	[sflag:s5] =	ssyncadd.s32 $0xFFFF8000  }
0x12b: {  	[tilespmem:s23], [sflag:$0x3] =	stream.linear.gather [hbm4b:s2+s3], $0x80, $0x38;
	[tilespmem:$0x10100] =	vst v63  }
0x12c: {  	_ =	swait.ge [sflag:s5], $0x80  }
0x12d: {  	[sflag:s5] =	ssyncset.done $0x0  }
0x12e: {  	[sflag:s5] =	ssyncadd.s32 $0xFFFFFF80  }
0x12f: {  	v3 =	vld [tilespmem:$0x80];
	_ =	sdelay $0x4  }
0x130: {  	v56 =	vshll.u32 v3, $0x1  }
0x131: {  	v3 =	vand.u32 $0x7, v3;
	v4 =	vand.u32 $0xFFFFFFF0, v56  }
0x132: {  	v3 =	vor.u32 v3, v4  }
0x133: {  	v4 =	vperm.xlane v3, v0;
	_ =	sdelay $0x1  }
0x134: {  	v3 =	vperm.xlane v3, v2;
	v4 =	vadd.s32 v1, v4;
	_ =	sdelay $0x1  }
0x135: {  	v3 =	vadd.s32 v1, v3;
	_ =	sdelay $0x2  }
0x136: {  	[tilespmem:s0], [sflag:$0x2] =	stream.indirect_vreg.gather [hbm4b:s1+s3], $0x80, v4, vm0, $0xb8;
	[tilespmem:$0x10100] =	vst v63  }
0x137: {  	_ = 	snop  }
0x138: {  	[tilespmem:s7], [sflag:$0x2] =	stream.indirect_vreg.gather [hbm4b:s1+s3], $0x80, v3, vm0, $0xb8;
	[tilespmem:$0x10100] =	vst v63  }
0x139: {  	v3 =	vld [tilespmem:$0x90];
	_ =	sdelay $0x4  }
0x13a: {  	v57 =	vshll.u32 v3, $0x1  }
0x13b: {  	v3 =	vand.u32 $0x7, v3;
	v4 =	vand.u32 $0xFFFFFFF0, v57  }
0x13c: {  	v3 =	vor.u32 v3, v4  }
0x13d: {  	v4 =	vperm.xlane v3, v0;
	_ =	sdelay $0x1  }
0x13e: {  	v3 =	vperm.xlane v3, v2;
	v4 =	vadd.s32 v1, v4;
	_ =	sdelay $0x1  }
0x13f: {  	v3 =	vadd.s32 v1, v3;
	_ =	sdelay $0x2  }
0x140: {  	[tilespmem:s8], [sflag:$0x2] =	stream.indirect_vreg.gather [hbm4b:s1+s3], $0x80, v4, vm0, $0xb8;
	[tilespmem:$0x10100] =	vst v63  }
0x141: {  	_ = 	snop  }
0x142: {  	[tilespmem:s9], [sflag:$0x2] =	stream.indirect_vreg.gather [hbm4b:s1+s3], $0x80, v3, vm0, $0xb8;
	[tilespmem:$0x10100] =	vst v63  }
0x143: {  	v3 =	vld [tilespmem:$0xA0];
	_ =	sdelay $0x4  }
0x144: {  	v58 =	vshll.u32 v3, $0x1  }
0x145: {  	v3 =	vand.u32 $0x7, v3;
	v4 =	vand.u32 $0xFFFFFFF0, v58  }
0x146: {  	v3 =	vor.u32 v3, v4  }
0x147: {  	v4 =	vperm.xlane v3, v0;
	_ =	sdelay $0x1  }
0x148: {  	v3 =	vperm.xlane v3, v2;
	v4 =	vadd.s32 v1, v4;
	_ =	sdelay $0x1  }
0x149: {  	v3 =	vadd.s32 v1, v3;
	_ =	sdelay $0x2  }
0x14a: {  	[tilespmem:s10], [sflag:$0x2] =	stream.indirect_vreg.gather [hbm4b:s1+s3], $0x80, v4, vm0, $0xb8;
	[tilespmem:$0x10100] =	vst v63  }
0x14b: {  	_ = 	snop  }
0x14c: {  	[tilespmem:s11], [sflag:$0x2] =	stream.indirect_vreg.gather [hbm4b:s1+s3], $0x80, v3, vm0, $0xb8;
	[tilespmem:$0x10100] =	vst v63  }
0x14d: {  	v3 =	vld [tilespmem:$0xB0];
	_ =	sdelay $0x4  }
0x14e: {  	v59 =	vshll.u32 v3, $0x1  }
0x14f: {  	v3 =	vand.u32 $0x7, v3;
	v4 =	vand.u32 $0xFFFFFFF0, v59  }
0x150: {  	v3 =	vor.u32 v3, v4  }
0x151: {  	v4 =	vperm.xlane v3, v0;
	_ =	sdelay $0x1  }
0x152: {  	v3 =	vperm.xlane v3, v2;
	v4 =	vadd.s32 v1, v4;
	_ =	sdelay $0x1  }
0x153: {  	v3 =	vadd.s32 v1, v3;
	_ =	sdelay $0x2  }
0x154: {  	[tilespmem:s12], [sflag:$0x2] =	stream.indirect_vreg.gather [hbm4b:s1+s3], $0x80, v4, vm0, $0xb8;
	[tilespmem:$0x10100] =	vst v63  }
0x155: {  	s15 =	simm.s32 $0xB900  }
0x156: {  	[tilespmem:s15], [sflag:$0x2] =	stream.indirect_vreg.gather [hbm4b:s1+s3], $0x80, v3, vm0, $0xb8;
	[tilespmem:$0x10100] =	vst v63  }
0x157: {  	v3 =	vld [tilespmem:$0xC0];
	_ =	sdelay $0x4  }
0x158: {  	v60 =	vshll.u32 v3, $0x1  }
0x159: {  	v3 =	vand.u32 $0x7, v3;
	v4 =	vand.u32 $0xFFFFFFF0, v60  }
0x15a: {  	v3 =	vor.u32 v3, v4  }
0x15b: {  	v4 =	vperm.xlane v3, v0;
	_ =	sdelay $0x1  }
0x15c: {  	v3 =	vperm.xlane v3, v2;
	v4 =	vadd.s32 v1, v4;
	_ =	sdelay $0x1  }
0x15d: {  	v3 =	vadd.s32 v1, v3;
	_ =	sdelay $0x1  }
0x15e: {  	s15 =	simm.s32 $0xC100  }
0x15f: {  	[tilespmem:s15], [sflag:$0x2] =	stream.indirect_vreg.gather [hbm4b:s1+s3], $0x80, v4, vm0, $0xb8;
	[tilespmem:$0x10100] =	vst v63  }
0x160: {  	s15 =	simm.s32 $0xC900  }
0x161: {  	[tilespmem:s15], [sflag:$0x2] =	stream.indirect_vreg.gather [hbm4b:s1+s3], $0x80, v3, vm0, $0xb8;
	[tilespmem:$0x10100] =	vst v63  }
0x162: {  	v3 =	vld [tilespmem:$0xD0];
	_ =	sdelay $0x4  }
0x163: {  	v61 =	vshll.u32 v3, $0x1  }
0x164: {  	v3 =	vand.u32 $0x7, v3;
	v4 =	vand.u32 $0xFFFFFFF0, v61  }
0x165: {  	v3 =	vor.u32 v3, v4  }
0x166: {  	v4 =	vperm.xlane v3, v0;
	_ =	sdelay $0x1  }
0x167: {  	v3 =	vperm.xlane v3, v2;
	v4 =	vadd.s32 v1, v4;
	_ =	sdelay $0x1  }
0x168: {  	v3 =	vadd.s32 v1, v3;
	_ =	sdelay $0x1  }
0x169: {  	s15 =	simm.s32 $0xD100  }
0x16a: {  	[tilespmem:s15], [sflag:$0x2] =	stream.indirect_vreg.gather [hbm4b:s1+s3], $0x80, v4, vm0, $0xb8;
	[tilespmem:$0x10100] =	vst v63  }
0x16b: {  	s15 =	simm.s32 $0xD900  }
0x16c: {  	[tilespmem:s15], [sflag:$0x2] =	stream.indirect_vreg.gather [hbm4b:s1+s3], $0x80, v3, vm0, $0xb8;
	[tilespmem:$0x10100] =	vst v63  }
0x16d: {  	v3 =	vld [tilespmem:$0xE0];
	_ =	sdelay $0x4  }
0x16e: {  	v62 =	vshll.u32 v3, $0x1  }
0x16f: {  	v3 =	vand.u32 $0x7, v3;
	v4 =	vand.u32 $0xFFFFFFF0, v62  }
0x170: {  	v3 =	vor.u32 v3, v4  }
0x171: {  	v4 =	vperm.xlane v3, v0;
	_ =	sdelay $0x1  }
0x172: {  	v3 =	vperm.xlane v3, v2;
	v4 =	vadd.s32 v1, v4;
	_ =	sdelay $0x1  }
0x173: {  	v3 =	vadd.s32 v1, v3;
	_ =	sdelay $0x1  }
0x174: {  	s15 =	simm.s32 $0xE100  }
0x175: {  	[tilespmem:s15], [sflag:$0x2] =	stream.indirect_vreg.gather [hbm4b:s1+s3], $0x80, v4, vm0, $0xb8;
	[tilespmem:$0x10100] =	vst v63  }
0x176: {  	s15 =	simm.s32 $0xE900  }
0x177: {  	[tilespmem:s15], [sflag:$0x2] =	stream.indirect_vreg.gather [hbm4b:s1+s3], $0x80, v3, vm0, $0xb8;
	[tilespmem:$0x10100] =	vst v63  }
0x178: {  	v3 =	vld [tilespmem:$0xF0];
	_ =	sdelay $0x4  }
0x179: {  	v63 =	vshll.u32 v3, $0x1  }
0x17a: {  	v3 =	vand.u32 $0x7, v3;
	v4 =	vand.u32 $0xFFFFFFF0, v63  }
0x17b: {  	v3 =	vor.u32 v3, v4  }
0x17c: {  	v4 =	vperm.xlane v3, v0;
	_ =	sdelay $0x1  }
0x17d: {  	v3 =	vperm.xlane v3, v2;
	v4 =	vadd.s32 v1, v4;
	_ =	sdelay $0x1  }
0x17e: {  	v3 =	vadd.s32 v1, v3;
	_ =	sdelay $0x1  }
0x17f: {  	s15 =	simm.s32 $0xF100  }
0x180: {  	[tilespmem:s15], [sflag:$0x2] =	stream.indirect_vreg.gather [hbm4b:s1+s3], $0x80, v4, vm0, $0xb8;
	[tilespmem:$0x10100] =	vst v63  }
0x181: {  	s15 =	simm.s32 $0xF900  }
0x182: {  	[tilespmem:s15], [sflag:$0x2] =	stream.indirect_vreg.gather [hbm4b:s1+s3], $0x80, v3, vm0, $0xb8;
	[tilespmem:$0x10100] =	vst v63  }
0x183: {  	_ =	swait.ge [sflag:s6], $0x8000  }
0x184: {  	[sflag:s6] =	ssyncset.done $0x0  }
0x185: {  	s13 =	simm.s32 $0x100;
	s2 =	rddreg [dreg:$0xa];
	[sflag:s6] =	ssyncadd.s32 $0xFFFF8000  }
0x186: {  	[hbm4b:s2+s3] =	stream.linear.scatter [tilespmem:s13], [sflag:$0x3], $0x8000, $0x38;
	[tilespmem:$0x10100] =	vst v63  }
0x187: {  	_ =	swait.ge [sflag:s5], $0x8000  }
0x188: {  	[sflag:s5] =	ssyncset.done $0x0  }
0x189: {  	[sflag:s5] =	ssyncadd.s32 $0xFFFF8000  }
0x18a: {  	_ =	swait.ge [sflag:s14], $0x8000  }
0x18b: {  	p0 =	sne.s32 s4, $0x1;
	[sflag:s14] =	ssyncset.done $0x0  }
.Ltmp0:
0x18c: {  	s13 =	rddreg [dreg:$0xb];
	[sflag:s14] =	ssyncadd.s32 $0xFFFF8000;
	(pc) =	sbr.rel @p0 .LBB2_1-.Ltmp0, $4  }
0x18d: {  	[hbm4b:s13+s3] =	stream.linear.scatter [tilespmem:s0], [sflag:$0x3], $0x8000, $0x38;
	[tilespmem:$0x10100] =	vst v63  }
0x18e: {  	_ =	swait.ge [sflag:s5], $0x8000  }
0x18f: {  	[sflag:s5] =	ssyncset.done $0x0  }
0x190: {  	s4 =	sadd.s32 $0xFFFFFFFF, s4;
	[sflag:s5] =	ssyncadd.s32 $0xFFFF8000  }
0x191: {  	_ =	sfence.sel $0x180000  }
0x192: {  	[bflag:$0x0] =	sbarrier.arrive $0xFFFF  }
0x193: {  	_ =	strace $0x90000047  }
0x194: {  	s0 =	stileid.u32;
	[bflag:$0x2] =	sbarrier.arrive $0xFFFF  }
0x195: {  	p0 =	sne.s32 s0, $0x0;
	s0 =	rddreg [dreg:$0x3]  }
0x196: {  	s0 =	sadd.s32 @!p0 $0x100000, s0  }
0x197: {  	[sflag:s0] =	ssyncadd.tile.s32 @!p0 $0x1;
	_ =	shalt  }
.Lfunc_end2:
_tile_overlayer_lowered:
.L_overlay_start_2:
0x198: {  	(tag) =	ssettag $0x2  }
0x199: {  	s0 =	rddreg [dreg:$0x0];
	s2 =	stileid.u32  }
0x19a: {  	s1 =	rddreg [dreg:$0x1];
	p0 =	sne.s32 s2, $0x0  }
0x19b: {  	s3 =	rddreg [dreg:$0x2];
	[bflag:$0x3] =	sbarrier.arrive $0xFFFF;
	s2 =	simm.s32 @!p0 $0x1C03  }
0x19c: {  	[timem:s3], [sflag:s2] =	dma.local @!p0 [hbm:s0], s1  }
0x19d: {  	s0 =	simm.s32 @!p0 $0x3  }
0x19e: {  	_ =	swait.ge @!p0 [sflag:s0], s1  }
0x19f: {  	s1 =	ssub.s32 @!p0 $0x0, s1;
	[sflag:s0] =	ssyncset.done @!p0 $0x0  }
0x1a0: {  	[sflag:s0] =	ssyncadd.s32 @!p0 s1  }
0x1a1: {  	[bflag:$0x3] =	sbarrier.arrive $0xFFFF  }
0x1a2: {  	_ =	shalt  }

</sc_bundles>
